<compile_context>
chip_gen: v7x
topology: tpu7x:2x2x1
jax: 0.10.2.dev20260603
libtpu: 0.0.44.dev20260713+nightly
codegen_flags: <defaults>
</compile_context>

<pallas_src>
import jax
import jax.numpy as jnp
from jax import lax
from jax.experimental import pallas as pl
from jax.experimental.pallas import tpu as pltpu
from jax.experimental.pallas import tpu_sc as plsc

SIGMA = 1.0
LR = 0.1
NUM = 1024
N = 512
NC = 2
NS = 16
NW = NC * NS
NSC = NUM // 2
RPT = NSC // NW
L = 16
NCH = N // L
BLK = 128

_mesh = plsc.VectorSubcoreMesh(
    core_axis_name="c", subcore_axis_name="s", num_cores=NC, num_subcores=NS)


def _lanemin(v):
    iot = lax.iota(jnp.int32, L)
    for k in (8, 4, 2, 1):
        v = jnp.minimum(v, v.at[iot ^ k].get(mode="promise_in_bounds"))
    return v


def _dists_body(x_hbm, w_hbm, mins_hbm, x_v, w_v, red_v, acc_v, sem0):
    tid = lax.axis_index("c") * NS + lax.axis_index("s")
    base = tid * RPT
    cp0 = pltpu.async_copy(w_hbm.at[pl.ds(base, RPT)], w_v, sem0)
    pltpu.sync_copy(x_hbm, x_v)
    xc = [x_v[pl.ds(j * L, L)] for j in range(NCH)]
    iot = lax.iota(jnp.int32, L)

    def row_step(i, _):
        accs = [jnp.zeros((L,), jnp.float32) for _ in range(4)]
        for j in range(NCH):
            d = w_v[i, pl.ds(j * L, L)] - xc[j]
            accs[j % 4] = accs[j % 4] + d * d
        acc_v[pl.ds(i * L, L)] = (accs[0] + accs[1]) + (accs[2] + accs[3])
        return 0

    cp0.wait()
    lax.fori_loop(0, RPT, row_step, 0)
    cols = [plsc.load_gather(acc_v, [iot * L + j]) for j in range(L)]
    for step in (8, 4, 2, 1):
        cols = [cols[t] + cols[t + step] for t in range(step)]
    dists16 = cols[0]

    gminv = _lanemin(dists16)
    cand = jnp.where(dists16 == gminv,
                     (base + iot).astype(jnp.float32), jnp.float32(2e9))
    gidxv = _lanemin(cand)
    red_v[:] = jnp.where(iot == 0, gminv, jnp.where(iot == 1, gidxv, 0.0))
    pltpu.sync_copy(red_v, mins_hbm.at[tid])


_dists_call = pl.kernel(
    _dists_body,
    out_type=jax.ShapeDtypeStruct((NW, L), jnp.float32),
    mesh=_mesh,
    compiler_params=pltpu.CompilerParams(needs_layout_passes=False),
    scratch_types=[
        pltpu.VMEM((N,), jnp.float32),
        pltpu.VMEM((RPT, N), jnp.float32),
        pltpu.VMEM((L,), jnp.float32),
        pltpu.VMEM((L * L,), jnp.float32),
        pltpu.SemaphoreType.DMA,
    ],
)


def _tcdists_body(x_ref, w_ref, out_ref):
    d = w_ref[...] - x_ref[...]
    out_ref[...] = jnp.sum(d * d, axis=1, keepdims=True)


_tcdists_call = pl.pallas_call(
    _tcdists_body,
    grid=(NSC // BLK,),
    in_specs=[
        pl.BlockSpec((1, N), lambda i: (0, 0)),
        pl.BlockSpec((BLK, N), lambda i: (i + NSC // BLK, 0)),
    ],
    out_specs=pl.BlockSpec((BLK, 1), lambda i: (i, 0)),
    out_shape=jax.ShapeDtypeStruct((NSC, 1), jnp.float32),
)


def _upd_body(mins_ref, d2_ref, nhb_hbm, x_ref, w_ref, out_ref,
              latt_row, latt_col, sem):
    i = pl.program_id(0)

    @pl.when(i == 0)
    def _():
        vals = mins_ref[:, 0:1]
        idxs = mins_ref[:, 1:2]
        m1 = jnp.min(vals)
        i1 = jnp.min(jnp.where(vals == m1, idxs, jnp.float32(2e9)))
        v2 = d2_ref[...]
        m2 = jnp.min(v2)
        rows2 = lax.broadcasted_iota(jnp.int32, (NSC, 1), 0).astype(jnp.float32) + NSC
        i2 = jnp.min(jnp.where(v2 == m2, rows2, jnp.float32(2e9)))
        bidx = jnp.where(m1 <= m2, i1, i2)
        bmu = bidx.astype(jnp.int32)
        cp = pltpu.make_async_copy(nhb_hbm.at[bmu], latt_row, sem)
        cp.start()
        cp.wait()
        lr = jnp.exp(latt_row[...] * -0.5)
        eye = (lax.broadcasted_iota(jnp.int32, (BLK, BLK), 0) ==
               lax.broadcasted_iota(jnp.int32, (BLK, BLK), 1)
               ).astype(jnp.float32)
        for k in range(NUM // BLK):
            seg = lr[k * BLK:(k + 1) * BLK].reshape(1, BLK)
            latt_col[pl.ds(k * BLK, BLK), :] = lax.dot_general(
                eye, seg, (((1,), (1,)), ((), ())),
                precision=lax.Precision.HIGHEST)

    w = w_ref[...]
    lc = latt_col[pl.ds(i * BLK, BLK), :]
    out_ref[...] = w + (LR * lc) * (x_ref[...] - w)


_upd_call = pl.pallas_call(
    _upd_body,
    grid=(NUM // BLK,),
    in_specs=[
        pl.BlockSpec((NW, L), lambda i: (0, 0)),
        pl.BlockSpec((NSC, 1), lambda i: (0, 0)),
        pl.BlockSpec(memory_space=pl.ANY),
        pl.BlockSpec((1, N), lambda i: (0, 0)),
        pl.BlockSpec((BLK, N), lambda i: (i, 0)),
    ],
    out_specs=pl.BlockSpec((BLK, N), lambda i: (i, 0)),
    out_shape=jax.ShapeDtypeStruct((NUM, N), jnp.float32),
    scratch_shapes=[
        pltpu.VMEM((NUM,), jnp.float32),
        pltpu.VMEM((NUM, 1), jnp.float32),
        pltpu.SemaphoreType.DMA,
    ],
)


@jax.jit
def kernel(x, W, nhb_dists):
    x2 = x.reshape(1, N)
    mins = _dists_call(x.reshape(N), W)
    d2 = _tcdists_call(x2, W)
    return _upd_call(mins, d2, nhb_dists, x2, W)

# --- scband reference (transcript-rebuilt; emitter-appended) ---
"""Pipeline reference for scband-som-52243982189127 (READ-ONLY COPY).

The authoritative reference and input builder live on the scoring server;
editing this copy changes nothing except your own understanding.
"""

import jax, jax.numpy as jnp
import numpy as np

SIGMA = 1.0
LR = 0.1
LATT = (32, 32)
N = 512
NUM_NEURONS = LATT[0] * LATT[1]

def _nhb_dists():
    ii, jj = np.meshgrid(np.arange(LATT[0]), np.arange(LATT[1]), indexing='ij')
    coords = np.stack([ii.ravel(), jj.ravel()], axis=1).astype(np.float64)
    d = np.sqrt(((coords[:, None, :] - coords[None, :, :]) ** 2).sum(-1))
    return jnp.asarray(d, dtype=jnp.float32)

def setup_inputs(seed: int = 0):
    key = jax.random.key(seed)
    k1, k2 = jax.random.split(key)
    x = jax.random.normal(k1, (1, N), dtype=jnp.float32)
    W = jax.random.normal(k2, (NUM_NEURONS, N), dtype=jnp.float32)
    return {"x": x, "W": W, "nhb_dists": _nhb_dists()}

def reference(x, W, nhb_dists):
    # dists from the input sample to every neuron weight vector
    dists = jnp.sqrt(jnp.sum((x - W) ** 2, axis=1))
    # best-matching unit (BMU)
    argmin = jnp.argmin(dists)
    # neighborhood function over lattice distances from the BMU row
    latt_dists = jnp.exp(-nhb_dists[argmin] / (2.0 * SIGMA ** 2))
    latt_dists = latt_dists[:, None]
    # SOM weight update (functional version of the in-place W += ...)
    W_new = W + LR * latt_dists * (x - W)
    return W_new

if __name__ == "__main__":
    import jax
    _d = setup_inputs()
    print(jax.jit(kernel)(*tuple(_d.values())))

</pallas_src>

<mosaic_0001>
#map = affine_map<(d0, d1) -> (0)>
#map1 = affine_map<(d0, d1) -> (0, 0)>
module attributes {stable_mosaic.version = 14 : i64} {
  func.func @_dists_body(%arg0: i32, %arg1: i32, %arg2: memref<512xf32, #tpu.memory_space<hbm>>, %arg3: memref<1024x512xf32, #tpu.memory_space<hbm>>, %arg4: memref<32x16xf32, #tpu.memory_space<hbm>>, %arg5: memref<512xf32, #tpu.memory_space<vmem>>, %arg6: memref<16x512xf32, #tpu.memory_space<vmem>>, %arg7: memref<16xf32, #tpu.memory_space<vmem>>, %arg8: memref<256xf32, #tpu.memory_space<vmem>>, %arg9: memref<!tpu.dma_semaphore, #tpu.memory_space<semaphore_mem>>) attributes {dimension_semantics = [#tpu.dimension_semantics<core_parallel>, #tpu.dimension_semantics<subcore_parallel>], iteration_bounds = array<i64: 2, 16>, scalar_prefetch = 0 : i64, scratch_operands = 5 : i64, tpu.core_type = #tpu.core_type<sc_vector_subcore>, window_params = [{transform_indices = #map}, {transform_indices = #map1}, {transform_indices = #map1}]} {
    %mul3A = arith.constant 16 : i32
    %mul3A_0 = arith.muli %arg0, %mul3A : i32
    %add3A = arith.addi %mul3A_0, %arg1 : i32
    %mul3A_1 = arith.constant 16 : i32
    %mul3A_2 = arith.muli %add3A, %mul3A_1 : i32
    %dma_start3A = arith.constant 0 : i32
    %dma_start3A_3 = tpu.memref_slice %arg3[%mul3A_2, %dma_start3A] : memref<1024x512xf32, #tpu.memory_space<hbm>> -> memref<16x512xf32, #tpu.memory_space<hbm>>
    %dma_start3A_4 = arith.constant 0 : i32
    %dma_start3A_5 = tpu.memref_slice %arg3[%mul3A_2, %dma_start3A_4] : memref<1024x512xf32, #tpu.memory_space<hbm>> -> memref<16x512xf32, #tpu.memory_space<hbm>>
    tpu.enqueue_dma source(%dma_start3A_5 : memref<16x512xf32, #tpu.memory_space<hbm>>) target(%arg6 : memref<16x512xf32, #tpu.memory_space<vmem>>) target_semaphore(%arg9 : memref<!tpu.dma_semaphore, #tpu.memory_space<semaphore_mem>>)
    "tpu.region"() ({
      %run_scoped3A = tpu.sem_alloc : memref<!tpu.dma_semaphore, #tpu.memory_space<semaphore_mem>>
      tpu.enqueue_dma source(%arg2 : memref<512xf32, #tpu.memory_space<hbm>>) target(%arg5 : memref<512xf32, #tpu.memory_space<vmem>>) target_semaphore(%run_scoped3A : memref<!tpu.dma_semaphore, #tpu.memory_space<semaphore_mem>>)
      tpu.wait_dma2 semaphore(%run_scoped3A : memref<!tpu.dma_semaphore, #tpu.memory_space<semaphore_mem>>) src(%arg2 : memref<512xf32, #tpu.memory_space<hbm>>) dst(%arg5 : memref<512xf32, #tpu.memory_space<vmem>>)
      tpu.yield
    }) : () -> ()
    %get3A = arith.constant 0 : index
    %get3A_6 = tpu.vector_load %arg5[%get3A] {strides = array<i32>} : memref<512xf32, #tpu.memory_space<vmem>>, vector<16xf32>,
    %get3A_7 = arith.constant 16 : index
    %get3A_8 = tpu.vector_load %arg5[%get3A_7] {strides = array<i32>} : memref<512xf32, #tpu.memory_space<vmem>>, vector<16xf32>,
    %get3A_9 = arith.constant 32 : index
    %get3A_10 = tpu.vector_load %arg5[%get3A_9] {strides = array<i32>} : memref<512xf32, #tpu.memory_space<vmem>>, vector<16xf32>,
    %get3A_11 = arith.constant 48 : index
    %get3A_12 = tpu.vector_load %arg5[%get3A_11] {strides = array<i32>} : memref<512xf32, #tpu.memory_space<vmem>>, vector<16xf32>,
    %get3A_13 = arith.constant 64 : index
    %get3A_14 = tpu.vector_load %arg5[%get3A_13] {strides = array<i32>} : memref<512xf32, #tpu.memory_space<vmem>>, vector<16xf32>,
    %get3A_15 = arith.constant 80 : index
    %get3A_16 = tpu.vector_load %arg5[%get3A_15] {strides = array<i32>} : memref<512xf32, #tpu.memory_space<vmem>>, vector<16xf32>,
    %get3A_17 = arith.constant 96 : index
    %get3A_18 = tpu.vector_load %arg5[%get3A_17] {strides = array<i32>} : memref<512xf32, #tpu.memory_space<vmem>>, vector<16xf32>,
    %get3A_19 = arith.constant 112 : index
    %get3A_20 = tpu.vector_load %arg5[%get3A_19] {strides = array<i32>} : memref<512xf32, #tpu.memory_space<vmem>>, vector<16xf32>,
    %get3A_21 = arith.constant 128 : index
    %get3A_22 = tpu.vector_load %arg5[%get3A_21] {strides = array<i32>} : memref<512xf32, #tpu.memory_space<vmem>>, vector<16xf32>,
    %get3A_23 = arith.constant 144 : index
    %get3A_24 = tpu.vector_load %arg5[%get3A_23] {strides = array<i32>} : memref<512xf32, #tpu.memory_space<vmem>>, vector<16xf32>,
    %get3A_25 = arith.constant 160 : index
    %get3A_26 = tpu.vector_load %arg5[%get3A_25] {strides = array<i32>} : memref<512xf32, #tpu.memory_space<vmem>>, vector<16xf32>,
    %get3A_27 = arith.constant 176 : index
    %get3A_28 = tpu.vector_load %arg5[%get3A_27] {strides = array<i32>} : memref<512xf32, #tpu.memory_space<vmem>>, vector<16xf32>,
    %get3A_29 = arith.constant 192 : index
    %get3A_30 = tpu.vector_load %arg5[%get3A_29] {strides = array<i32>} : memref<512xf32, #tpu.memory_space<vmem>>, vector<16xf32>,
    %get3A_31 = arith.constant 208 : index
    %get3A_32 = tpu.vector_load %arg5[%get3A_31] {strides = array<i32>} : memref<512xf32, #tpu.memory_space<vmem>>, vector<16xf32>,
    %get3A_33 = arith.constant 224 : index
    %get3A_34 = tpu.vector_load %arg5[%get3A_33] {strides = array<i32>} : memref<512xf32, #tpu.memory_space<vmem>>, vector<16xf32>,
    %get3A_35 = arith.constant 240 : index
    %get3A_36 = tpu.vector_load %arg5[%get3A_35] {strides = array<i32>} : memref<512xf32, #tpu.memory_space<vmem>>, vector<16xf32>,
    %get3A_37 = arith.constant 256 : index
    %get3A_38 = tpu.vector_load %arg5[%get3A_37] {strides = array<i32>} : memref<512xf32, #tpu.memory_space<vmem>>, vector<16xf32>,
    %get3A_39 = arith.constant 272 : index
    %get3A_40 = tpu.vector_load %arg5[%get3A_39] {strides = array<i32>} : memref<512xf32, #tpu.memory_space<vmem>>, vector<16xf32>,
    %get3A_41 = arith.constant 288 : index
    %get3A_42 = tpu.vector_load %arg5[%get3A_41] {strides = array<i32>} : memref<512xf32, #tpu.memory_space<vmem>>, vector<16xf32>,
    %get3A_43 = arith.constant 304 : index
    %get3A_44 = tpu.vector_load %arg5[%get3A_43] {strides = array<i32>} : memref<512xf32, #tpu.memory_space<vmem>>, vector<16xf32>,
    %get3A_45 = arith.constant 320 : index
    %get3A_46 = tpu.vector_load %arg5[%get3A_45] {strides = array<i32>} : memref<512xf32, #tpu.memory_space<vmem>>, vector<16xf32>,
    %get3A_47 = arith.constant 336 : index
    %get3A_48 = tpu.vector_load %arg5[%get3A_47] {strides = array<i32>} : memref<512xf32, #tpu.memory_space<vmem>>, vector<16xf32>,
    %get3A_49 = arith.constant 352 : index
    %get3A_50 = tpu.vector_load %arg5[%get3A_49] {strides = array<i32>} : memref<512xf32, #tpu.memory_space<vmem>>, vector<16xf32>,
    %get3A_51 = arith.constant 368 : index
    %get3A_52 = tpu.vector_load %arg5[%get3A_51] {strides = array<i32>} : memref<512xf32, #tpu.memory_space<vmem>>, vector<16xf32>,
    %get3A_53 = arith.constant 384 : index
    %get3A_54 = tpu.vector_load %arg5[%get3A_53] {strides = array<i32>} : memref<512xf32, #tpu.memory_space<vmem>>, vector<16xf32>,
    %get3A_55 = arith.constant 400 : index
    %get3A_56 = tpu.vector_load %arg5[%get3A_55] {strides = array<i32>} : memref<512xf32, #tpu.memory_space<vmem>>, vector<16xf32>,
    %get3A_57 = arith.constant 416 : index
    %get3A_58 = tpu.vector_load %arg5[%get3A_57] {strides = array<i32>} : memref<512xf32, #tpu.memory_space<vmem>>, vector<16xf32>,
    %get3A_59 = arith.constant 432 : index
    %get3A_60 = tpu.vector_load %arg5[%get3A_59] {strides = array<i32>} : memref<512xf32, #tpu.memory_space<vmem>>, vector<16xf32>,
    %get3A_61 = arith.constant 448 : index
    %get3A_62 = tpu.vector_load %arg5[%get3A_61] {strides = array<i32>} : memref<512xf32, #tpu.memory_space<vmem>>, vector<16xf32>,
    %get3A_63 = arith.constant 464 : index
    %get3A_64 = tpu.vector_load %arg5[%get3A_63] {strides = array<i32>} : memref<512xf32, #tpu.memory_space<vmem>>, vector<16xf32>,
    %get3A_65 = arith.constant 480 : index
    %get3A_66 = tpu.vector_load %arg5[%get3A_65] {strides = array<i32>} : memref<512xf32, #tpu.memory_space<vmem>>, vector<16xf32>,
    %get3A_67 = arith.constant 496 : index
    %get3A_68 = tpu.vector_load %arg5[%get3A_67] {strides = array<i32>} : memref<512xf32, #tpu.memory_space<vmem>>, vector<16xf32>,
    %iota3A = tpu.iota {dimensions = array<i32: 0>} : vector<16xi32>
    %dma_wait3A = arith.constant 0 : i32
    %dma_wait3A_69 = tpu.memref_slice %arg3[%mul3A_2, %dma_wait3A] : memref<1024x512xf32, #tpu.memory_space<hbm>> -> memref<16x512xf32, #tpu.memory_space<hbm>>
    %dma_wait3A_70 = arith.constant 0 : i32
    %dma_wait3A_71 = tpu.memref_slice %arg3[%mul3A_2, %dma_wait3A_70] : memref<1024x512xf32, #tpu.memory_space<hbm>> -> memref<16x512xf32, #tpu.memory_space<hbm>>
    tpu.wait_dma2 semaphore(%arg9 : memref<!tpu.dma_semaphore, #tpu.memory_space<semaphore_mem>>) src(%dma_wait3A_71 : memref<16x512xf32, #tpu.memory_space<hbm>>) dst(%arg6 : memref<16x512xf32, #tpu.memory_space<vmem>>)
    %scan3A = arith.constant 0 : i32
    %scan3A_72 = arith.constant 0 : i32
    %scan3A_73 = arith.constant 16 : i32
    %scan3A_74 = arith.addi %scan3A_72, %scan3A_73 : i32
    %scan3A_75 = arith.constant 1 : i32
    %scan3A_76 = scf.for %scan3A_328 = %scan3A_72 to %scan3A_74 step %scan3A_75 iter_args(%scan3A_329 = %scan3A) -> (i32)  : i32 {
      %broadcast_in_dim3A_330 = arith.constant 0.000000e+00 : f32
      %broadcast_in_dim3A_331 = vector.broadcast %broadcast_in_dim3A_330 : f32 to vector<16xf32>
      %broadcast_in_dim3A_332 = arith.constant 0.000000e+00 : f32
      %broadcast_in_dim3A_333 = vector.broadcast %broadcast_in_dim3A_332 : f32 to vector<16xf32>
      %broadcast_in_dim3A_334 = arith.constant 0.000000e+00 : f32
      %broadcast_in_dim3A_335 = vector.broadcast %broadcast_in_dim3A_334 : f32 to vector<16xf32>
      %broadcast_in_dim3A_336 = arith.constant 0.000000e+00 : f32
      %broadcast_in_dim3A_337 = vector.broadcast %broadcast_in_dim3A_336 : f32 to vector<16xf32>
      %get3A_338 = arith.index_cast %scan3A_328 : i32 to index
      %get3A_339 = arith.constant 0 : index
      %get3A_340 = tpu.vector_load %arg6[%get3A_338, %get3A_339] {strides = array<i32>} : memref<16x512xf32, #tpu.memory_space<vmem>>, vector<16xf32>,
      %sub3A = arith.subf %get3A_340, %get3A_6 : vector<16xf32>
      %mul3A_341 = arith.mulf %sub3A, %sub3A : vector<16xf32>
      %add3A_342 = arith.addf %broadcast_in_dim3A_331, %mul3A_341 : vector<16xf32>
      %get3A_343 = arith.index_cast %scan3A_328 : i32 to index
      %get3A_344 = arith.constant 16 : index
      %get3A_345 = tpu.vector_load %arg6[%get3A_343, %get3A_344] {strides = array<i32>} : memref<16x512xf32, #tpu.memory_space<vmem>>, vector<16xf32>,
      %sub3A_346 = arith.subf %get3A_345, %get3A_8 : vector<16xf32>
      %mul3A_347 = arith.mulf %sub3A_346, %sub3A_346 : vector<16xf32>
      %add3A_348 = arith.addf %broadcast_in_dim3A_333, %mul3A_347 : vector<16xf32>
      %get3A_349 = arith.index_cast %scan3A_328 : i32 to index
      %get3A_350 = arith.constant 32 : index
      %get3A_351 = tpu.vector_load %arg6[%get3A_349, %get3A_350] {strides = array<i32>} : memref<16x512xf32, #tpu.memory_space<vmem>>, vector<16xf32>,
      %sub3A_352 = arith.subf %get3A_351, %get3A_10 : vector<16xf32>
      %mul3A_353 = arith.mulf %sub3A_352, %sub3A_352 : vector<16xf32>
      %add3A_354 = arith.addf %broadcast_in_dim3A_335, %mul3A_353 : vector<16xf32>
      %get3A_355 = arith.index_cast %scan3A_328 : i32 to index
      %get3A_356 = arith.constant 48 : index
      %get3A_357 = tpu.vector_load %arg6[%get3A_355, %get3A_356] {strides = array<i32>} : memref<16x512xf32, #tpu.memory_space<vmem>>, vector<16xf32>,
      %sub3A_358 = arith.subf %get3A_357, %get3A_12 : vector<16xf32>
      %mul3A_359 = arith.mulf %sub3A_358, %sub3A_358 : vector<16xf32>
      %add3A_360 = arith.addf %broadcast_in_dim3A_337, %mul3A_359 : vector<16xf32>
      %get3A_361 = arith.index_cast %scan3A_328 : i32 to index
      %get3A_362 = arith.constant 64 : index
      %get3A_363 = tpu.vector_load %arg6[%get3A_361, %get3A_362] {strides = array<i32>} : memref<16x512xf32, #tpu.memory_space<vmem>>, vector<16xf32>,
      %sub3A_364 = arith.subf %get3A_363, %get3A_14 : vector<16xf32>
      %mul3A_365 = arith.mulf %sub3A_364, %sub3A_364 : vector<16xf32>
      %add3A_366 = arith.addf %add3A_342, %mul3A_365 : vector<16xf32>
      %get3A_367 = arith.index_cast %scan3A_328 : i32 to index
      %get3A_368 = arith.constant 80 : index
      %get3A_369 = tpu.vector_load %arg6[%get3A_367, %get3A_368] {strides = array<i32>} : memref<16x512xf32, #tpu.memory_space<vmem>>, vector<16xf32>,
      %sub3A_370 = arith.subf %get3A_369, %get3A_16 : vector<16xf32>
      %mul3A_371 = arith.mulf %sub3A_370, %sub3A_370 : vector<16xf32>
      %add3A_372 = arith.addf %add3A_348, %mul3A_371 : vector<16xf32>
      %get3A_373 = arith.index_cast %scan3A_328 : i32 to index
      %get3A_374 = arith.constant 96 : index
      %get3A_375 = tpu.vector_load %arg6[%get3A_373, %get3A_374] {strides = array<i32>} : memref<16x512xf32, #tpu.memory_space<vmem>>, vector<16xf32>,
      %sub3A_376 = arith.subf %get3A_375, %get3A_18 : vector<16xf32>
      %mul3A_377 = arith.mulf %sub3A_376, %sub3A_376 : vector<16xf32>
      %add3A_378 = arith.addf %add3A_354, %mul3A_377 : vector<16xf32>
      %get3A_379 = arith.index_cast %scan3A_328 : i32 to index
      %get3A_380 = arith.constant 112 : index
      %get3A_381 = tpu.vector_load %arg6[%get3A_379, %get3A_380] {strides = array<i32>} : memref<16x512xf32, #tpu.memory_space<vmem>>, vector<16xf32>,
      %sub3A_382 = arith.subf %get3A_381, %get3A_20 : vector<16xf32>
      %mul3A_383 = arith.mulf %sub3A_382, %sub3A_382 : vector<16xf32>
      %add3A_384 = arith.addf %add3A_360, %mul3A_383 : vector<16xf32>
      %get3A_385 = arith.index_cast %scan3A_328 : i32 to index
      %get3A_386 = arith.constant 128 : index
      %get3A_387 = tpu.vector_load %arg6[%get3A_385, %get3A_386] {strides = array<i32>} : memref<16x512xf32, #tpu.memory_space<vmem>>, vector<16xf32>,
      %sub3A_388 = arith.subf %get3A_387, %get3A_22 : vector<16xf32>
      %mul3A_389 = arith.mulf %sub3A_388, %sub3A_388 : vector<16xf32>
      %add3A_390 = arith.addf %add3A_366, %mul3A_389 : vector<16xf32>
      %get3A_391 = arith.index_cast %scan3A_328 : i32 to index
      %get3A_392 = arith.constant 144 : index
      %get3A_393 = tpu.vector_load %arg6[%get3A_391, %get3A_392] {strides = array<i32>} : memref<16x512xf32, #tpu.memory_space<vmem>>, vector<16xf32>,
      %sub3A_394 = arith.subf %get3A_393, %get3A_24 : vector<16xf32>
      %mul3A_395 = arith.mulf %sub3A_394, %sub3A_394 : vector<16xf32>
      %add3A_396 = arith.addf %add3A_372, %mul3A_395 : vector<16xf32>
      %get3A_397 = arith.index_cast %scan3A_328 : i32 to index
      %get3A_398 = arith.constant 160 : index
      %get3A_399 = tpu.vector_load %arg6[%get3A_397, %get3A_398] {strides = array<i32>} : memref<16x512xf32, #tpu.memory_space<vmem>>, vector<16xf32>,
      %sub3A_400 = arith.subf %get3A_399, %get3A_26 : vector<16xf32>
      %mul3A_401 = arith.mulf %sub3A_400, %sub3A_400 : vector<16xf32>
      %add3A_402 = arith.addf %add3A_378, %mul3A_401 : vector<16xf32>
      %get3A_403 = arith.index_cast %scan3A_328 : i32 to index
      %get3A_404 = arith.constant 176 : index
      %get3A_405 = tpu.vector_load %arg6[%get3A_403, %get3A_404] {strides = array<i32>} : memref<16x512xf32, #tpu.memory_space<vmem>>, vector<16xf32>,
      %sub3A_406 = arith.subf %get3A_405, %get3A_28 : vector<16xf32>
      %mul3A_407 = arith.mulf %sub3A_406, %sub3A_406 : vector<16xf32>
      %add3A_408 = arith.addf %add3A_384, %mul3A_407 : vector<16xf32>
      %get3A_409 = arith.index_cast %scan3A_328 : i32 to index
      %get3A_410 = arith.constant 192 : index
      %get3A_411 = tpu.vector_load %arg6[%get3A_409, %get3A_410] {strides = array<i32>} : memref<16x512xf32, #tpu.memory_space<vmem>>, vector<16xf32>,
      %sub3A_412 = arith.subf %get3A_411, %get3A_30 : vector<16xf32>
      %mul3A_413 = arith.mulf %sub3A_412, %sub3A_412 : vector<16xf32>
      %add3A_414 = arith.addf %add3A_390, %mul3A_413 : vector<16xf32>
      %get3A_415 = arith.index_cast %scan3A_328 : i32 to index
      %get3A_416 = arith.constant 208 : index
      %get3A_417 = tpu.vector_load %arg6[%get3A_415, %get3A_416] {strides = array<i32>} : memref<16x512xf32, #tpu.memory_space<vmem>>, vector<16xf32>,
      %sub3A_418 = arith.subf %get3A_417, %get3A_32 : vector<16xf32>
      %mul3A_419 = arith.mulf %sub3A_418, %sub3A_418 : vector<16xf32>
      %add3A_420 = arith.addf %add3A_396, %mul3A_419 : vector<16xf32>
      %get3A_421 = arith.index_cast %scan3A_328 : i32 to index
      %get3A_422 = arith.constant 224 : index
      %get3A_423 = tpu.vector_load %arg6[%get3A_421, %get3A_422] {strides = array<i32>} : memref<16x512xf32, #tpu.memory_space<vmem>>, vector<16xf32>,
      %sub3A_424 = arith.subf %get3A_423, %get3A_34 : vector<16xf32>
      %mul3A_425 = arith.mulf %sub3A_424, %sub3A_424 : vector<16xf32>
      %add3A_426 = arith.addf %add3A_402, %mul3A_425 : vector<16xf32>
      %get3A_427 = arith.index_cast %scan3A_328 : i32 to index
      %get3A_428 = arith.constant 240 : index
      %get3A_429 = tpu.vector_load %arg6[%get3A_427, %get3A_428] {strides = array<i32>} : memref<16x512xf32, #tpu.memory_space<vmem>>, vector<16xf32>,
      %sub3A_430 = arith.subf %get3A_429, %get3A_36 : vector<16xf32>
      %mul3A_431 = arith.mulf %sub3A_430, %sub3A_430 : vector<16xf32>
      %add3A_432 = arith.addf %add3A_408, %mul3A_431 : vector<16xf32>
      %get3A_433 = arith.index_cast %scan3A_328 : i32 to index
      %get3A_434 = arith.constant 256 : index
      %get3A_435 = tpu.vector_load %arg6[%get3A_433, %get3A_434] {strides = array<i32>} : memref<16x512xf32, #tpu.memory_space<vmem>>, vector<16xf32>,
      %sub3A_436 = arith.subf %get3A_435, %get3A_38 : vector<16xf32>
      %mul3A_437 = arith.mulf %sub3A_436, %sub3A_436 : vector<16xf32>
      %add3A_438 = arith.addf %add3A_414, %mul3A_437 : vector<16xf32>
      %get3A_439 = arith.index_cast %scan3A_328 : i32 to index
      %get3A_440 = arith.constant 272 : index
      %get3A_441 = tpu.vector_load %arg6[%get3A_439, %get3A_440] {strides = array<i32>} : memref<16x512xf32, #tpu.memory_space<vmem>>, vector<16xf32>,
      %sub3A_442 = arith.subf %get3A_441, %get3A_40 : vector<16xf32>
      %mul3A_443 = arith.mulf %sub3A_442, %sub3A_442 : vector<16xf32>
      %add3A_444 = arith.addf %add3A_420, %mul3A_443 : vector<16xf32>
      %get3A_445 = arith.index_cast %scan3A_328 : i32 to index
      %get3A_446 = arith.constant 288 : index
      %get3A_447 = tpu.vector_load %arg6[%get3A_445, %get3A_446] {strides = array<i32>} : memref<16x512xf32, #tpu.memory_space<vmem>>, vector<16xf32>,
      %sub3A_448 = arith.subf %get3A_447, %get3A_42 : vector<16xf32>
      %mul3A_449 = arith.mulf %sub3A_448, %sub3A_448 : vector<16xf32>
      %add3A_450 = arith.addf %add3A_426, %mul3A_449 : vector<16xf32>
      %get3A_451 = arith.index_cast %scan3A_328 : i32 to index
      %get3A_452 = arith.constant 304 : index
      %get3A_453 = tpu.vector_load %arg6[%get3A_451, %get3A_452] {strides = array<i32>} : memref<16x512xf32, #tpu.memory_space<vmem>>, vector<16xf32>,
      %sub3A_454 = arith.subf %get3A_453, %get3A_44 : vector<16xf32>
      %mul3A_455 = arith.mulf %sub3A_454, %sub3A_454 : vector<16xf32>
      %add3A_456 = arith.addf %add3A_432, %mul3A_455 : vector<16xf32>
      %get3A_457 = arith.index_cast %scan3A_328 : i32 to index
      %get3A_458 = arith.constant 320 : index
      %get3A_459 = tpu.vector_load %arg6[%get3A_457, %get3A_458] {strides = array<i32>} : memref<16x512xf32, #tpu.memory_space<vmem>>, vector<16xf32>,
      %sub3A_460 = arith.subf %get3A_459, %get3A_46 : vector<16xf32>
      %mul3A_461 = arith.mulf %sub3A_460, %sub3A_460 : vector<16xf32>
      %add3A_462 = arith.addf %add3A_438, %mul3A_461 : vector<16xf32>
      %get3A_463 = arith.index_cast %scan3A_328 : i32 to index
      %get3A_464 = arith.constant 336 : index
      %get3A_465 = tpu.vector_load %arg6[%get3A_463, %get3A_464] {strides = array<i32>} : memref<16x512xf32, #tpu.memory_space<vmem>>, vector<16xf32>,
      %sub3A_466 = arith.subf %get3A_465, %get3A_48 : vector<16xf32>
      %mul3A_467 = arith.mulf %sub3A_466, %sub3A_466 : vector<16xf32>
      %add3A_468 = arith.addf %add3A_444, %mul3A_467 : vector<16xf32>
      %get3A_469 = arith.index_cast %scan3A_328 : i32 to index
      %get3A_470 = arith.constant 352 : index
      %get3A_471 = tpu.vector_load %arg6[%get3A_469, %get3A_470] {strides = array<i32>} : memref<16x512xf32, #tpu.memory_space<vmem>>, vector<16xf32>,
      %sub3A_472 = arith.subf %get3A_471, %get3A_50 : vector<16xf32>
      %mul3A_473 = arith.mulf %sub3A_472, %sub3A_472 : vector<16xf32>
      %add3A_474 = arith.addf %add3A_450, %mul3A_473 : vector<16xf32>
      %get3A_475 = arith.index_cast %scan3A_328 : i32 to index
      %get3A_476 = arith.constant 368 : index
      %get3A_477 = tpu.vector_load %arg6[%get3A_475, %get3A_476] {strides = array<i32>} : memref<16x512xf32, #tpu.memory_space<vmem>>, vector<16xf32>,
      %sub3A_478 = arith.subf %get3A_477, %get3A_52 : vector<16xf32>
      %mul3A_479 = arith.mulf %sub3A_478, %sub3A_478 : vector<16xf32>
      %add3A_480 = arith.addf %add3A_456, %mul3A_479 : vector<16xf32>
      %get3A_481 = arith.index_cast %scan3A_328 : i32 to index
      %get3A_482 = arith.constant 384 : index
      %get3A_483 = tpu.vector_load %arg6[%get3A_481, %get3A_482] {strides = array<i32>} : memref<16x512xf32, #tpu.memory_space<vmem>>, vector<16xf32>,
      %sub3A_484 = arith.subf %get3A_483, %get3A_54 : vector<16xf32>
      %mul3A_485 = arith.mulf %sub3A_484, %sub3A_484 : vector<16xf32>
      %add3A_486 = arith.addf %add3A_462, %mul3A_485 : vector<16xf32>
      %get3A_487 = arith.index_cast %scan3A_328 : i32 to index
      %get3A_488 = arith.constant 400 : index
      %get3A_489 = tpu.vector_load %arg6[%get3A_487, %get3A_488] {strides = array<i32>} : memref<16x512xf32, #tpu.memory_space<vmem>>, vector<16xf32>,
      %sub3A_490 = arith.subf %get3A_489, %get3A_56 : vector<16xf32>
      %mul3A_491 = arith.mulf %sub3A_490, %sub3A_490 : vector<16xf32>
      %add3A_492 = arith.addf %add3A_468, %mul3A_491 : vector<16xf32>
      %get3A_493 = arith.index_cast %scan3A_328 : i32 to index
      %get3A_494 = arith.constant 416 : index
      %get3A_495 = tpu.vector_load %arg6[%get3A_493, %get3A_494] {strides = array<i32>} : memref<16x512xf32, #tpu.memory_space<vmem>>, vector<16xf32>,
      %sub3A_496 = arith.subf %get3A_495, %get3A_58 : vector<16xf32>
      %mul3A_497 = arith.mulf %sub3A_496, %sub3A_496 : vector<16xf32>
      %add3A_498 = arith.addf %add3A_474, %mul3A_497 : vector<16xf32>
      %get3A_499 = arith.index_cast %scan3A_328 : i32 to index
      %get3A_500 = arith.constant 432 : index
      %get3A_501 = tpu.vector_load %arg6[%get3A_499, %get3A_500] {strides = array<i32>} : memref<16x512xf32, #tpu.memory_space<vmem>>, vector<16xf32>,
      %sub3A_502 = arith.subf %get3A_501, %get3A_60 : vector<16xf32>
      %mul3A_503 = arith.mulf %sub3A_502, %sub3A_502 : vector<16xf32>
      %add3A_504 = arith.addf %add3A_480, %mul3A_503 : vector<16xf32>
      %get3A_505 = arith.index_cast %scan3A_328 : i32 to index
      %get3A_506 = arith.constant 448 : index
      %get3A_507 = tpu.vector_load %arg6[%get3A_505, %get3A_506] {strides = array<i32>} : memref<16x512xf32, #tpu.memory_space<vmem>>, vector<16xf32>,
      %sub3A_508 = arith.subf %get3A_507, %get3A_62 : vector<16xf32>
      %mul3A_509 = arith.mulf %sub3A_508, %sub3A_508 : vector<16xf32>
      %add3A_510 = arith.addf %add3A_486, %mul3A_509 : vector<16xf32>
      %get3A_511 = arith.index_cast %scan3A_328 : i32 to index
      %get3A_512 = arith.constant 464 : index
      %get3A_513 = tpu.vector_load %arg6[%get3A_511, %get3A_512] {strides = array<i32>} : memref<16x512xf32, #tpu.memory_space<vmem>>, vector<16xf32>,
      %sub3A_514 = arith.subf %get3A_513, %get3A_64 : vector<16xf32>
      %mul3A_515 = arith.mulf %sub3A_514, %sub3A_514 : vector<16xf32>
      %add3A_516 = arith.addf %add3A_492, %mul3A_515 : vector<16xf32>
      %get3A_517 = arith.index_cast %scan3A_328 : i32 to index
      %get3A_518 = arith.constant 480 : index
      %get3A_519 = tpu.vector_load %arg6[%get3A_517, %get3A_518] {strides = array<i32>} : memref<16x512xf32, #tpu.memory_space<vmem>>, vector<16xf32>,
      %sub3A_520 = arith.subf %get3A_519, %get3A_66 : vector<16xf32>
      %mul3A_521 = arith.mulf %sub3A_520, %sub3A_520 : vector<16xf32>
      %add3A_522 = arith.addf %add3A_498, %mul3A_521 : vector<16xf32>
      %get3A_523 = arith.index_cast %scan3A_328 : i32 to index
      %get3A_524 = arith.constant 496 : index
      %get3A_525 = tpu.vector_load %arg6[%get3A_523, %get3A_524] {strides = array<i32>} : memref<16x512xf32, #tpu.memory_space<vmem>>, vector<16xf32>,
      %sub3A_526 = arith.subf %get3A_525, %get3A_68 : vector<16xf32>
      %mul3A_527 = arith.mulf %sub3A_526, %sub3A_526 : vector<16xf32>
      %add3A_528 = arith.addf %add3A_504, %mul3A_527 : vector<16xf32>
      %add3A_529 = arith.addf %add3A_510, %add3A_516 : vector<16xf32>
      %add3A_530 = arith.addf %add3A_522, %add3A_528 : vector<16xf32>
      %add3A_531 = arith.addf %add3A_529, %add3A_530 : vector<16xf32>
      %mul3A_532 = arith.constant 16 : i32
      %mul3A_533 = arith.muli %scan3A_328, %mul3A_532 : i32
      %swap3A_534 = arith.index_cast %mul3A_533 : i32 to index
      %swap3A_535 = tpu.vector_load %arg8[%swap3A_534] {strides = array<i32>} : memref<256xf32, #tpu.memory_space<vmem>>, vector<16xf32>,
      tpu.vector_store %arg8[%swap3A_534], %add3A_531 {strides = array<i32>} : memref<256xf32, #tpu.memory_space<vmem>>, vector<16xf32>,
      %scan3A_536 = arith.constant 0 : i32
      scf.yield %scan3A_536 : i32
    }
    %scan3A_77 = arith.constant 16 : i32
    %mul3A_78 = arith.constant 16 : i32
    %mul3A_79 = vector.broadcast %mul3A_78 : i32 to vector<16xi32>
    %mul3A_80 = arith.muli %iota3A, %mul3A_79 : vector<16xi32>
    %add3A_81 = arith.constant 0 : i32
    %add3A_82 = vector.broadcast %add3A_81 : i32 to vector<16xi32>
    %add3A_83 = arith.addi %mul3A_80, %add3A_82 : vector<16xi32>
    %gather3A = tpu.vector_load_idx %arg8[%add3A_83] : memref<256xf32, #tpu.memory_space<vmem>>[vector<16xi32>], vector<16xf32>,
    %mul3A_84 = arith.constant 16 : i32
    %mul3A_85 = vector.broadcast %mul3A_84 : i32 to vector<16xi32>
    %mul3A_86 = arith.muli %iota3A, %mul3A_85 : vector<16xi32>
    %add3A_87 = arith.constant 1 : i32
    %add3A_88 = vector.broadcast %add3A_87 : i32 to vector<16xi32>
    %add3A_89 = arith.addi %mul3A_86, %add3A_88 : vector<16xi32>
    %gather3A_90 = tpu.vector_load_idx %arg8[%add3A_89] : memref<256xf32, #tpu.memory_space<vmem>>[vector<16xi32>], vector<16xf32>,
    %mul3A_91 = arith.constant 16 : i32
    %mul3A_92 = vector.broadcast %mul3A_91 : i32 to vector<16xi32>
    %mul3A_93 = arith.muli %iota3A, %mul3A_92 : vector<16xi32>
    %add3A_94 = arith.constant 2 : i32
    %add3A_95 = vector.broadcast %add3A_94 : i32 to vector<16xi32>
    %add3A_96 = arith.addi %mul3A_93, %add3A_95 : vector<16xi32>
    %gather3A_97 = tpu.vector_load_idx %arg8[%add3A_96] : memref<256xf32, #tpu.memory_space<vmem>>[vector<16xi32>], vector<16xf32>,
    %mul3A_98 = arith.constant 16 : i32
    %mul3A_99 = vector.broadcast %mul3A_98 : i32 to vector<16xi32>
    %mul3A_100 = arith.muli %iota3A, %mul3A_99 : vector<16xi32>
    %add3A_101 = arith.constant 3 : i32
    %add3A_102 = vector.broadcast %add3A_101 : i32 to vector<16xi32>
    %add3A_103 = arith.addi %mul3A_100, %add3A_102 : vector<16xi32>
    %gather3A_104 = tpu.vector_load_idx %arg8[%add3A_103] : memref<256xf32, #tpu.memory_space<vmem>>[vector<16xi32>], vector<16xf32>,
    %mul3A_105 = arith.constant 16 : i32
    %mul3A_106 = vector.broadcast %mul3A_105 : i32 to vector<16xi32>
    %mul3A_107 = arith.muli %iota3A, %mul3A_106 : vector<16xi32>
    %add3A_108 = arith.constant 4 : i32
    %add3A_109 = vector.broadcast %add3A_108 : i32 to vector<16xi32>
    %add3A_110 = arith.addi %mul3A_107, %add3A_109 : vector<16xi32>
    %gather3A_111 = tpu.vector_load_idx %arg8[%add3A_110] : memref<256xf32, #tpu.memory_space<vmem>>[vector<16xi32>], vector<16xf32>,
    %mul3A_112 = arith.constant 16 : i32
    %mul3A_113 = vector.broadcast %mul3A_112 : i32 to vector<16xi32>
    %mul3A_114 = arith.muli %iota3A, %mul3A_113 : vector<16xi32>
    %add3A_115 = arith.constant 5 : i32
    %add3A_116 = vector.broadcast %add3A_115 : i32 to vector<16xi32>
    %add3A_117 = arith.addi %mul3A_114, %add3A_116 : vector<16xi32>
    %gather3A_118 = tpu.vector_load_idx %arg8[%add3A_117] : memref<256xf32, #tpu.memory_space<vmem>>[vector<16xi32>], vector<16xf32>,
    %mul3A_119 = arith.constant 16 : i32
    %mul3A_120 = vector.broadcast %mul3A_119 : i32 to vector<16xi32>
    %mul3A_121 = arith.muli %iota3A, %mul3A_120 : vector<16xi32>
    %add3A_122 = arith.constant 6 : i32
    %add3A_123 = vector.broadcast %add3A_122 : i32 to vector<16xi32>
    %add3A_124 = arith.addi %mul3A_121, %add3A_123 : vector<16xi32>
    %gather3A_125 = tpu.vector_load_idx %arg8[%add3A_124] : memref<256xf32, #tpu.memory_space<vmem>>[vector<16xi32>], vector<16xf32>,
    %mul3A_126 = arith.constant 16 : i32
    %mul3A_127 = vector.broadcast %mul3A_126 : i32 to vector<16xi32>
    %mul3A_128 = arith.muli %iota3A, %mul3A_127 : vector<16xi32>
    %add3A_129 = arith.constant 7 : i32
    %add3A_130 = vector.broadcast %add3A_129 : i32 to vector<16xi32>
    %add3A_131 = arith.addi %mul3A_128, %add3A_130 : vector<16xi32>
    %gather3A_132 = tpu.vector_load_idx %arg8[%add3A_131] : memref<256xf32, #tpu.memory_space<vmem>>[vector<16xi32>], vector<16xf32>,
    %mul3A_133 = arith.constant 16 : i32
    %mul3A_134 = vector.broadcast %mul3A_133 : i32 to vector<16xi32>
    %mul3A_135 = arith.muli %iota3A, %mul3A_134 : vector<16xi32>
    %add3A_136 = arith.constant 8 : i32
    %add3A_137 = vector.broadcast %add3A_136 : i32 to vector<16xi32>
    %add3A_138 = arith.addi %mul3A_135, %add3A_137 : vector<16xi32>
    %gather3A_139 = tpu.vector_load_idx %arg8[%add3A_138] : memref<256xf32, #tpu.memory_space<vmem>>[vector<16xi32>], vector<16xf32>,
    %mul3A_140 = arith.constant 16 : i32
    %mul3A_141 = vector.broadcast %mul3A_140 : i32 to vector<16xi32>
    %mul3A_142 = arith.muli %iota3A, %mul3A_141 : vector<16xi32>
    %add3A_143 = arith.constant 9 : i32
    %add3A_144 = vector.broadcast %add3A_143 : i32 to vector<16xi32>
    %add3A_145 = arith.addi %mul3A_142, %add3A_144 : vector<16xi32>
    %gather3A_146 = tpu.vector_load_idx %arg8[%add3A_145] : memref<256xf32, #tpu.memory_space<vmem>>[vector<16xi32>], vector<16xf32>,
    %mul3A_147 = arith.constant 16 : i32
    %mul3A_148 = vector.broadcast %mul3A_147 : i32 to vector<16xi32>
    %mul3A_149 = arith.muli %iota3A, %mul3A_148 : vector<16xi32>
    %add3A_150 = arith.constant 10 : i32
    %add3A_151 = vector.broadcast %add3A_150 : i32 to vector<16xi32>
    %add3A_152 = arith.addi %mul3A_149, %add3A_151 : vector<16xi32>
    %gather3A_153 = tpu.vector_load_idx %arg8[%add3A_152] : memref<256xf32, #tpu.memory_space<vmem>>[vector<16xi32>], vector<16xf32>,
    %mul3A_154 = arith.constant 16 : i32
    %mul3A_155 = vector.broadcast %mul3A_154 : i32 to vector<16xi32>
    %mul3A_156 = arith.muli %iota3A, %mul3A_155 : vector<16xi32>
    %add3A_157 = arith.constant 11 : i32
    %add3A_158 = vector.broadcast %add3A_157 : i32 to vector<16xi32>
    %add3A_159 = arith.addi %mul3A_156, %add3A_158 : vector<16xi32>
    %gather3A_160 = tpu.vector_load_idx %arg8[%add3A_159] : memref<256xf32, #tpu.memory_space<vmem>>[vector<16xi32>], vector<16xf32>,
    %mul3A_161 = arith.constant 16 : i32
    %mul3A_162 = vector.broadcast %mul3A_161 : i32 to vector<16xi32>
    %mul3A_163 = arith.muli %iota3A, %mul3A_162 : vector<16xi32>
    %add3A_164 = arith.constant 12 : i32
    %add3A_165 = vector.broadcast %add3A_164 : i32 to vector<16xi32>
    %add3A_166 = arith.addi %mul3A_163, %add3A_165 : vector<16xi32>
    %gather3A_167 = tpu.vector_load_idx %arg8[%add3A_166] : memref<256xf32, #tpu.memory_space<vmem>>[vector<16xi32>], vector<16xf32>,
    %mul3A_168 = arith.constant 16 : i32
    %mul3A_169 = vector.broadcast %mul3A_168 : i32 to vector<16xi32>
    %mul3A_170 = arith.muli %iota3A, %mul3A_169 : vector<16xi32>
    %add3A_171 = arith.constant 13 : i32
    %add3A_172 = vector.broadcast %add3A_171 : i32 to vector<16xi32>
    %add3A_173 = arith.addi %mul3A_170, %add3A_172 : vector<16xi32>
    %gather3A_174 = tpu.vector_load_idx %arg8[%add3A_173] : memref<256xf32, #tpu.memory_space<vmem>>[vector<16xi32>], vector<16xf32>,
    %mul3A_175 = arith.constant 16 : i32
    %mul3A_176 = vector.broadcast %mul3A_175 : i32 to vector<16xi32>
    %mul3A_177 = arith.muli %iota3A, %mul3A_176 : vector<16xi32>
    %add3A_178 = arith.constant 14 : i32
    %add3A_179 = vector.broadcast %add3A_178 : i32 to vector<16xi32>
    %add3A_180 = arith.addi %mul3A_177, %add3A_179 : vector<16xi32>
    %gather3A_181 = tpu.vector_load_idx %arg8[%add3A_180] : memref<256xf32, #tpu.memory_space<vmem>>[vector<16xi32>], vector<16xf32>,
    %mul3A_182 = arith.constant 16 : i32
    %mul3A_183 = vector.broadcast %mul3A_182 : i32 to vector<16xi32>
    %mul3A_184 = arith.muli %iota3A, %mul3A_183 : vector<16xi32>
    %add3A_185 = arith.constant 15 : i32
    %add3A_186 = vector.broadcast %add3A_185 : i32 to vector<16xi32>
    %add3A_187 = arith.addi %mul3A_184, %add3A_186 : vector<16xi32>
    %gather3A_188 = tpu.vector_load_idx %arg8[%add3A_187] : memref<256xf32, #tpu.memory_space<vmem>>[vector<16xi32>], vector<16xf32>,
    %add3A_189 = arith.addf %gather3A, %gather3A_139 : vector<16xf32>
    %add3A_190 = arith.addf %gather3A_90, %gather3A_146 : vector<16xf32>
    %add3A_191 = arith.addf %gather3A_97, %gather3A_153 : vector<16xf32>
    %add3A_192 = arith.addf %gather3A_104, %gather3A_160 : vector<16xf32>
    %add3A_193 = arith.addf %gather3A_111, %gather3A_167 : vector<16xf32>
    %add3A_194 = arith.addf %gather3A_118, %gather3A_174 : vector<16xf32>
    %add3A_195 = arith.addf %gather3A_125, %gather3A_181 : vector<16xf32>
    %add3A_196 = arith.addf %gather3A_132, %gather3A_188 : vector<16xf32>
    %add3A_197 = arith.addf %add3A_189, %add3A_193 : vector<16xf32>
    %add3A_198 = arith.addf %add3A_190, %add3A_194 : vector<16xf32>
    %add3A_199 = arith.addf %add3A_191, %add3A_195 : vector<16xf32>
    %add3A_200 = arith.addf %add3A_192, %add3A_196 : vector<16xf32>
    %add3A_201 = arith.addf %add3A_197, %add3A_199 : vector<16xf32>
    %add3A_202 = arith.addf %add3A_198, %add3A_200 : vector<16xf32>
    %add3A_203 = arith.addf %add3A_201, %add3A_202 : vector<16xf32>
    %iota3A_204 = tpu.iota {dimensions = array<i32: 0>} : vector<16xi32>
    %xor3A = arith.constant 8 : i32
    %xor3A_205 = vector.broadcast %xor3A : i32 to vector<16xi32>
    %xor3A_206 = arith.xori %iota3A_204, %xor3A_205 : vector<16xi32>
    %lt3A = arith.constant 0 : i32
    %lt3A_207 = vector.broadcast %lt3A : i32 to vector<16xi32>
    %lt3A_208 = arith.cmpi slt, %xor3A_206, %lt3A_207 : vector<16xi32>
    %add3A_209 = arith.constant 16 : i32
    %add3A_210 = vector.broadcast %add3A_209 : i32 to vector<16xi32>
    %add3A_211 = arith.addi %xor3A_206, %add3A_210 : vector<16xi32>
    %select_n3A = arith.select %lt3A_208, %add3A_211, %xor3A_206 : vector<16xi1>, vector<16xi32>
    %broadcast_in_dim3A = vector.shape_cast %select_n3A : vector<16xi32> to vector<16x1xi32>
    %gather3A_212 = vector.shape_cast %broadcast_in_dim3A : vector<16x1xi32> to vector<16xi32>
    %gather3A_213 = tpu.dynamic_gather %add3A_203[%gather3A_212] in [0] : vector<16xf32>, vector<16xi32> -> vector<16xf32>
    %min3A = arith.minimumf %add3A_203, %gather3A_213 : vector<16xf32>
    %xor3A_214 = arith.constant 4 : i32
    %xor3A_215 = vector.broadcast %xor3A_214 : i32 to vector<16xi32>
    %xor3A_216 = arith.xori %iota3A_204, %xor3A_215 : vector<16xi32>
    %lt3A_217 = arith.constant 0 : i32
    %lt3A_218 = vector.broadcast %lt3A_217 : i32 to vector<16xi32>
    %lt3A_219 = arith.cmpi slt, %xor3A_216, %lt3A_218 : vector<16xi32>
    %add3A_220 = arith.constant 16 : i32
    %add3A_221 = vector.broadcast %add3A_220 : i32 to vector<16xi32>
    %add3A_222 = arith.addi %xor3A_216, %add3A_221 : vector<16xi32>
    %select_n3A_223 = arith.select %lt3A_219, %add3A_222, %xor3A_216 : vector<16xi1>, vector<16xi32>
    %broadcast_in_dim3A_224 = vector.shape_cast %select_n3A_223 : vector<16xi32> to vector<16x1xi32>
    %gather3A_225 = vector.shape_cast %broadcast_in_dim3A_224 : vector<16x1xi32> to vector<16xi32>
    %gather3A_226 = tpu.dynamic_gather %min3A[%gather3A_225] in [0] : vector<16xf32>, vector<16xi32> -> vector<16xf32>
    %min3A_227 = arith.minimumf %min3A, %gather3A_226 : vector<16xf32>
    %xor3A_228 = arith.constant 2 : i32
    %xor3A_229 = vector.broadcast %xor3A_228 : i32 to vector<16xi32>
    %xor3A_230 = arith.xori %iota3A_204, %xor3A_229 : vector<16xi32>
    %lt3A_231 = arith.constant 0 : i32
    %lt3A_232 = vector.broadcast %lt3A_231 : i32 to vector<16xi32>
    %lt3A_233 = arith.cmpi slt, %xor3A_230, %lt3A_232 : vector<16xi32>
    %add3A_234 = arith.constant 16 : i32
    %add3A_235 = vector.broadcast %add3A_234 : i32 to vector<16xi32>
    %add3A_236 = arith.addi %xor3A_230, %add3A_235 : vector<16xi32>
    %select_n3A_237 = arith.select %lt3A_233, %add3A_236, %xor3A_230 : vector<16xi1>, vector<16xi32>
    %broadcast_in_dim3A_238 = vector.shape_cast %select_n3A_237 : vector<16xi32> to vector<16x1xi32>
    %gather3A_239 = vector.shape_cast %broadcast_in_dim3A_238 : vector<16x1xi32> to vector<16xi32>
    %gather3A_240 = tpu.dynamic_gather %min3A_227[%gather3A_239] in [0] : vector<16xf32>, vector<16xi32> -> vector<16xf32>
    %min3A_241 = arith.minimumf %min3A_227, %gather3A_240 : vector<16xf32>
    %xor3A_242 = arith.constant 1 : i32
    %xor3A_243 = vector.broadcast %xor3A_242 : i32 to vector<16xi32>
    %xor3A_244 = arith.xori %iota3A_204, %xor3A_243 : vector<16xi32>
    %lt3A_245 = arith.constant 0 : i32
    %lt3A_246 = vector.broadcast %lt3A_245 : i32 to vector<16xi32>
    %lt3A_247 = arith.cmpi slt, %xor3A_244, %lt3A_246 : vector<16xi32>
    %add3A_248 = arith.constant 16 : i32
    %add3A_249 = vector.broadcast %add3A_248 : i32 to vector<16xi32>
    %add3A_250 = arith.addi %xor3A_244, %add3A_249 : vector<16xi32>
    %select_n3A_251 = arith.select %lt3A_247, %add3A_250, %xor3A_244 : vector<16xi1>, vector<16xi32>
    %broadcast_in_dim3A_252 = vector.shape_cast %select_n3A_251 : vector<16xi32> to vector<16x1xi32>
    %gather3A_253 = vector.shape_cast %broadcast_in_dim3A_252 : vector<16x1xi32> to vector<16xi32>
    %gather3A_254 = tpu.dynamic_gather %min3A_241[%gather3A_253] in [0] : vector<16xf32>, vector<16xi32> -> vector<16xf32>
    %min3A_255 = arith.minimumf %min3A_241, %gather3A_254 : vector<16xf32>
    %eq3A = arith.cmpf oeq, %add3A_203, %min3A_255 : vector<16xf32>
    %add3A_256 = vector.broadcast %mul3A_2 : i32 to vector<16xi32>
    %add3A_257 = arith.addi %add3A_256, %iota3A : vector<16xi32>
    %convert_element_type3A = arith.sitofp %add3A_257 : vector<16xi32> to vector<16xf32>
    %jit3A = arith.constant 2.000000e+09 : f32
    %broadcast_in_dim3A_258 = vector.broadcast %jit3A : f32 to vector<16xf32>
    %select_n3A_259 = arith.select %eq3A, %convert_element_type3A, %broadcast_in_dim3A_258 : vector<16xi1>, vector<16xf32>
    %iota3A_260 = tpu.iota {dimensions = array<i32: 0>} : vector<16xi32>
    %xor3A_261 = arith.constant 8 : i32
    %xor3A_262 = vector.broadcast %xor3A_261 : i32 to vector<16xi32>
    %xor3A_263 = arith.xori %iota3A_260, %xor3A_262 : vector<16xi32>
    %lt3A_264 = arith.constant 0 : i32
    %lt3A_265 = vector.broadcast %lt3A_264 : i32 to vector<16xi32>
    %lt3A_266 = arith.cmpi slt, %xor3A_263, %lt3A_265 : vector<16xi32>
    %add3A_267 = arith.constant 16 : i32
    %add3A_268 = vector.broadcast %add3A_267 : i32 to vector<16xi32>
    %add3A_269 = arith.addi %xor3A_263, %add3A_268 : vector<16xi32>
    %select_n3A_270 = arith.select %lt3A_266, %add3A_269, %xor3A_263 : vector<16xi1>, vector<16xi32>
    %broadcast_in_dim3A_271 = vector.shape_cast %select_n3A_270 : vector<16xi32> to vector<16x1xi32>
    %gather3A_272 = vector.shape_cast %broadcast_in_dim3A_271 : vector<16x1xi32> to vector<16xi32>
    %gather3A_273 = tpu.dynamic_gather %select_n3A_259[%gather3A_272] in [0] : vector<16xf32>, vector<16xi32> -> vector<16xf32>
    %min3A_274 = arith.minimumf %select_n3A_259, %gather3A_273 : vector<16xf32>
    %xor3A_275 = arith.constant 4 : i32
    %xor3A_276 = vector.broadcast %xor3A_275 : i32 to vector<16xi32>
    %xor3A_277 = arith.xori %iota3A_260, %xor3A_276 : vector<16xi32>
    %lt3A_278 = arith.constant 0 : i32
    %lt3A_279 = vector.broadcast %lt3A_278 : i32 to vector<16xi32>
    %lt3A_280 = arith.cmpi slt, %xor3A_277, %lt3A_279 : vector<16xi32>
    %add3A_281 = arith.constant 16 : i32
    %add3A_282 = vector.broadcast %add3A_281 : i32 to vector<16xi32>
    %add3A_283 = arith.addi %xor3A_277, %add3A_282 : vector<16xi32>
    %select_n3A_284 = arith.select %lt3A_280, %add3A_283, %xor3A_277 : vector<16xi1>, vector<16xi32>
    %broadcast_in_dim3A_285 = vector.shape_cast %select_n3A_284 : vector<16xi32> to vector<16x1xi32>
    %gather3A_286 = vector.shape_cast %broadcast_in_dim3A_285 : vector<16x1xi32> to vector<16xi32>
    %gather3A_287 = tpu.dynamic_gather %min3A_274[%gather3A_286] in [0] : vector<16xf32>, vector<16xi32> -> vector<16xf32>
    %min3A_288 = arith.minimumf %min3A_274, %gather3A_287 : vector<16xf32>
    %xor3A_289 = arith.constant 2 : i32
    %xor3A_290 = vector.broadcast %xor3A_289 : i32 to vector<16xi32>
    %xor3A_291 = arith.xori %iota3A_260, %xor3A_290 : vector<16xi32>
    %lt3A_292 = arith.constant 0 : i32
    %lt3A_293 = vector.broadcast %lt3A_292 : i32 to vector<16xi32>
    %lt3A_294 = arith.cmpi slt, %xor3A_291, %lt3A_293 : vector<16xi32>
    %add3A_295 = arith.constant 16 : i32
    %add3A_296 = vector.broadcast %add3A_295 : i32 to vector<16xi32>
    %add3A_297 = arith.addi %xor3A_291, %add3A_296 : vector<16xi32>
    %select_n3A_298 = arith.select %lt3A_294, %add3A_297, %xor3A_291 : vector<16xi1>, vector<16xi32>
    %broadcast_in_dim3A_299 = vector.shape_cast %select_n3A_298 : vector<16xi32> to vector<16x1xi32>
    %gather3A_300 = vector.shape_cast %broadcast_in_dim3A_299 : vector<16x1xi32> to vector<16xi32>
    %gather3A_301 = tpu.dynamic_gather %min3A_288[%gather3A_300] in [0] : vector<16xf32>, vector<16xi32> -> vector<16xf32>
    %min3A_302 = arith.minimumf %min3A_288, %gather3A_301 : vector<16xf32>
    %xor3A_303 = arith.constant 1 : i32
    %xor3A_304 = vector.broadcast %xor3A_303 : i32 to vector<16xi32>
    %xor3A_305 = arith.xori %iota3A_260, %xor3A_304 : vector<16xi32>
    %lt3A_306 = arith.constant 0 : i32
    %lt3A_307 = vector.broadcast %lt3A_306 : i32 to vector<16xi32>
    %lt3A_308 = arith.cmpi slt, %xor3A_305, %lt3A_307 : vector<16xi32>
    %add3A_309 = arith.constant 16 : i32
    %add3A_310 = vector.broadcast %add3A_309 : i32 to vector<16xi32>
    %add3A_311 = arith.addi %xor3A_305, %add3A_310 : vector<16xi32>
    %select_n3A_312 = arith.select %lt3A_308, %add3A_311, %xor3A_305 : vector<16xi1>, vector<16xi32>
    %broadcast_in_dim3A_313 = vector.shape_cast %select_n3A_312 : vector<16xi32> to vector<16x1xi32>
    %gather3A_314 = vector.shape_cast %broadcast_in_dim3A_313 : vector<16x1xi32> to vector<16xi32>
    %gather3A_315 = tpu.dynamic_gather %min3A_302[%gather3A_314] in [0] : vector<16xf32>, vector<16xi32> -> vector<16xf32>
    %min3A_316 = arith.minimumf %min3A_302, %gather3A_315 : vector<16xf32>
    %eq3A_317 = arith.constant 0 : i32
    %eq3A_318 = vector.broadcast %eq3A_317 : i32 to vector<16xi32>
    %eq3A_319 = arith.cmpi eq, %iota3A, %eq3A_318 : vector<16xi32>
    %eq3A_320 = arith.constant 1 : i32
    %eq3A_321 = vector.broadcast %eq3A_320 : i32 to vector<16xi32>
    %eq3A_322 = arith.cmpi eq, %iota3A, %eq3A_321 : vector<16xi32>
    %jit3A_323 = arith.constant 0.000000e+00 : f32
    %broadcast_in_dim3A_324 = vector.broadcast %jit3A_323 : f32 to vector<16xf32>
    %select_n3A_325 = arith.select %eq3A_322, %min3A_316, %broadcast_in_dim3A_324 : vector<16xi1>, vector<16xf32>
    %select_n3A_326 = arith.select %eq3A_319, %min3A_255, %select_n3A_325 : vector<16xi1>, vector<16xf32>
    %swap3A = arith.constant 0 : index
    %swap3A_327 = tpu.vector_load %arg7[%swap3A] {strides = array<i32>} : memref<16xf32, #tpu.memory_space<vmem>>, vector<16xf32>,
    tpu.vector_store %arg7[%swap3A], %select_n3A_326 {strides = array<i32>} : memref<16xf32, #tpu.memory_space<vmem>>, vector<16xf32>,
    "tpu.region"() ({
      %run_scoped3A = tpu.sem_alloc : memref<!tpu.dma_semaphore, #tpu.memory_space<semaphore_mem>>
      %dma_start3A_328 = arith.constant 0 : i32
      %dma_start3A_329 = tpu.memref_slice %arg4[%add3A, %dma_start3A_328] : memref<32x16xf32, #tpu.memory_space<hbm>> -> memref<1x16xf32, #tpu.memory_space<hbm>>
      %dma_start3A_330 = tpu.memref_squeeze %dma_start3A_329 : memref<1x16xf32, #tpu.memory_space<hbm>> -> memref<16xf32, #tpu.memory_space<hbm>>
      %dma_start3A_331 = arith.constant 0 : i32
      %dma_start3A_332 = tpu.memref_slice %arg4[%add3A, %dma_start3A_331] : memref<32x16xf32, #tpu.memory_space<hbm>> -> memref<1x16xf32, #tpu.memory_space<hbm>>
      %dma_start3A_333 = tpu.memref_squeeze %dma_start3A_332 : memref<1x16xf32, #tpu.memory_space<hbm>> -> memref<16xf32, #tpu.memory_space<hbm>>
      tpu.enqueue_dma source(%arg7 : memref<16xf32, #tpu.memory_space<vmem>>) target(%dma_start3A_333 : memref<16xf32, #tpu.memory_space<hbm>>) target_semaphore(%run_scoped3A : memref<!tpu.dma_semaphore, #tpu.memory_space<semaphore_mem>>)
      %dma_wait3A_334 = arith.constant 0 : i32
      %dma_wait3A_335 = tpu.memref_slice %arg4[%add3A, %dma_wait3A_334] : memref<32x16xf32, #tpu.memory_space<hbm>> -> memref<1x16xf32, #tpu.memory_space<hbm>>
      %dma_wait3A_336 = tpu.memref_squeeze %dma_wait3A_335 : memref<1x16xf32, #tpu.memory_space<hbm>> -> memref<16xf32, #tpu.memory_space<hbm>>
      %dma_wait3A_337 = arith.constant 0 : i32
      %dma_wait3A_338 = tpu.memref_slice %arg4[%add3A, %dma_wait3A_337] : memref<32x16xf32, #tpu.memory_space<hbm>> -> memref<1x16xf32, #tpu.memory_space<hbm>>
      %dma_wait3A_339 = tpu.memref_squeeze %dma_wait3A_338 : memref<1x16xf32, #tpu.memory_space<hbm>> -> memref<16xf32, #tpu.memory_space<hbm>>
      tpu.wait_dma2 semaphore(%run_scoped3A : memref<!tpu.dma_semaphore, #tpu.memory_space<semaphore_mem>>) src(%arg7 : memref<16xf32, #tpu.memory_space<vmem>>) dst(%dma_wait3A_339 : memref<16xf32, #tpu.memory_space<hbm>>)
      tpu.yield
    }) : () -> ()
    return
  }
}

module attributes {stable_mosaic.version = 14 : i64} {
  func.func @_tcdists_body(%arg0: i32, %arg1: memref<1x512xf32, #tpu.memory_space<vmem>>, %arg2: memref<128x512xf32, #tpu.memory_space<vmem>>, %arg3: memref<128x1xf32, #tpu.memory_space<vmem>>) attributes {dimension_semantics = [#tpu.dimension_semantics<arbitrary>], iteration_bounds = array<i64: 4>, scalar_prefetch = 0 : i64, scratch_operands = 0 : i64, tpu.core_type = #tpu.core_type<tc>, window_params = [{pipeline_mode = #tpu.pipeline_mode<synchronous>, transform_indices = @transform_0, window_bounds = array<i64: 1, 512>}, {transform_indices = @transform_1, window_bounds = array<i64: 128, 512>}, {transform_indices = @transform_2, window_bounds = array<i64: 128, 1>}]} {
    %get3A = arith.constant 0 : index
    %get3A_0 = arith.constant 0 : index
    %get3A_1 = vector.load %arg2[%get3A, %get3A_0] : memref<128x512xf32, #tpu.memory_space<vmem>>, vector<128x512xf32>
    %get3A_2 = arith.constant 0 : index
    %get3A_3 = arith.constant 0 : index
    %get3A_4 = vector.load %arg1[%get3A_2, %get3A_3] : memref<1x512xf32, #tpu.memory_space<vmem>>, vector<1x512xf32>
    %sub3A = vector.broadcast %get3A_4 : vector<1x512xf32> to vector<128x512xf32>
    %sub3A_5 = arith.subf %get3A_1, %sub3A : vector<128x512xf32>
    %mul3A = arith.mulf %sub3A_5, %sub3A_5 : vector<128x512xf32>
    %reduce_sum3A = arith.constant dense<0.000000e+00> : vector<128xf32>
    %reduce_sum3A_6 = vector.multi_reduction <add>, %mul3A, %reduce_sum3A [1] : vector<128x512xf32> to vector<128xf32>
    %broadcast_in_dim3A = vector.shape_cast %reduce_sum3A_6 : vector<128xf32> to vector<128x1xf32>
    %swap3A = arith.constant 0 : index
    %swap3A_7 = arith.constant 0 : index
    %swap3A_8 = vector.load %arg3[%swap3A, %swap3A_7] : memref<128x1xf32, #tpu.memory_space<vmem>>, vector<128x1xf32>
    tpu.vector_store %arg3[%swap3A, %swap3A_7], %broadcast_in_dim3A {strides = array<i32>} : memref<128x1xf32, #tpu.memory_space<vmem>>, vector<128x1xf32>,
    return
  }
  func.func @transform_0(%arg0: i32) -> (i32, i32) {
    %c0_i32 = arith.constant 0 : i32
    %c0_i32_0 = arith.constant 0 : i32
    %c0_i32_1 = arith.constant 0 : i32
    return %c0_i32, %c0_i32_0 : i32, i32
  }
  func.func @transform_1(%arg0: i32) -> (i32, i32) {
    %add3A = arith.constant 4 : i32
    %add3A_0 = arith.addi %arg0, %add3A : i32
    %c0_i32 = arith.constant 0 : i32
    %c0_i32_1 = arith.constant 0 : i32
    return %add3A_0, %c0_i32 : i32, i32
  }
  func.func @transform_2(%arg0: i32) -> (i32, i32) {
    %c0_i32 = arith.constant 0 : i32
    %c0_i32_0 = arith.constant 0 : i32
    return %arg0, %c0_i32 : i32, i32
  }
}

module attributes {stable_mosaic.version = 14 : i64} {
  func.func @_upd_body(%arg0: i32, %arg1: memref<32x16xf32, #tpu.memory_space<vmem>>, %arg2: memref<512x1xf32, #tpu.memory_space<vmem>>, %arg3: memref<1024x1024xf32, #tpu.memory_space<any>>, %arg4: memref<1x512xf32, #tpu.memory_space<vmem>>, %arg5: memref<128x512xf32, #tpu.memory_space<vmem>>, %arg6: memref<128x512xf32, #tpu.memory_space<vmem>>, %arg7: memref<1024xf32, #tpu.memory_space<vmem>>, %arg8: memref<1024x1xf32, #tpu.memory_space<vmem>>, %arg9: memref<!tpu.dma_semaphore, #tpu.memory_space<semaphore_mem>>) attributes {dimension_semantics = [#tpu.dimension_semantics<arbitrary>], iteration_bounds = array<i64: 8>, scalar_prefetch = 0 : i64, scratch_operands = 3 : i64, tpu.core_type = #tpu.core_type<tc>, window_params = [{pipeline_mode = #tpu.pipeline_mode<synchronous>, transform_indices = @transform_0, window_bounds = array<i64: 32, 16>}, {pipeline_mode = #tpu.pipeline_mode<synchronous>, transform_indices = @transform_1, window_bounds = array<i64: 512, 1>}, {}, {pipeline_mode = #tpu.pipeline_mode<synchronous>, transform_indices = @transform_3, window_bounds = array<i64: 1, 512>}, {transform_indices = @transform_4, window_bounds = array<i64: 128, 512>}, {transform_indices = @transform_5, window_bounds = array<i64: 128, 512>}]} {
    %eq3A = arith.constant 0 : i32
    %eq3A_0 = arith.cmpi eq, %arg0, %eq3A : i32
    %convert_element_type3A = arith.extui %eq3A_0 : i1 to i32
    %cond3A = arith.constant 0 : i32
    %cond3A_1 = arith.cmpi ne, %convert_element_type3A, %cond3A : i32
    scf.if %cond3A_1 {
      %get3A_19 = arith.constant 0 : index
      %get3A_20 = arith.constant 0 : index
      %get3A_21 = vector.load %arg1[%get3A_19, %get3A_20] : memref<32x16xf32, #tpu.memory_space<vmem>>, vector<32x1xf32>
      %get3A_22 = arith.constant 0 : index
      %get3A_23 = arith.constant 1 : index
      %get3A_24 = vector.load %arg1[%get3A_22, %get3A_23] : memref<32x16xf32, #tpu.memory_space<vmem>>, vector<32x1xf32>
      %reduce_min3A = vector.shape_cast %get3A_21 : vector<32x1xf32> to vector<1x32x1xf32>
      %reduce_min3A_25 = arith.constant dense<0x7F800000> : vector<1xf32>
      %reduce_min3A_26 = vector.multi_reduction <minimumf>, %reduce_min3A, %reduce_min3A_25 [1, 2] : vector<1x32x1xf32> to vector<1xf32>
      %reduce_min3A_27 = vector.shape_cast %reduce_min3A_26 : vector<1xf32> to vector<1x1x1xf32>
      %reduce_min3A_28 = vector.extract %reduce_min3A_27[0, 0, 0] : f32 from vector<1x1x1xf32>
      %eq3A_29 = vector.broadcast %reduce_min3A_28 : f32 to vector<32x1xf32>
      %eq3A_30 = arith.cmpf oeq, %get3A_21, %eq3A_29 : vector<32x1xf32>
      %jit3A = arith.constant 2.000000e+09 : f32
      %broadcast_in_dim3A = vector.broadcast %jit3A : f32 to vector<32x1xf32>
      %select_n3A = arith.select %eq3A_30, %get3A_24, %broadcast_in_dim3A : vector<32x1xi1>, vector<32x1xf32>
      %reduce_min3A_31 = vector.shape_cast %select_n3A : vector<32x1xf32> to vector<1x32x1xf32>
      %reduce_min3A_32 = arith.constant dense<0x7F800000> : vector<1xf32>
      %reduce_min3A_33 = vector.multi_reduction <minimumf>, %reduce_min3A_31, %reduce_min3A_32 [1, 2] : vector<1x32x1xf32> to vector<1xf32>
      %reduce_min3A_34 = vector.shape_cast %reduce_min3A_33 : vector<1xf32> to vector<1x1x1xf32>
      %reduce_min3A_35 = vector.extract %reduce_min3A_34[0, 0, 0] : f32 from vector<1x1x1xf32>
      %get3A_36 = arith.constant 0 : index
      %get3A_37 = arith.constant 0 : index
      %get3A_38 = vector.load %arg2[%get3A_36, %get3A_37] : memref<512x1xf32, #tpu.memory_space<vmem>>, vector<512x1xf32>
      %reduce_min3A_39 = vector.shape_cast %get3A_38 : vector<512x1xf32> to vector<1x512x1xf32>
      %reduce_min3A_40 = arith.constant dense<0x7F800000> : vector<1xf32>
      %reduce_min3A_41 = vector.multi_reduction <minimumf>, %reduce_min3A_39, %reduce_min3A_40 [1, 2] : vector<1x512x1xf32> to vector<1xf32>
      %reduce_min3A_42 = vector.shape_cast %reduce_min3A_41 : vector<1xf32> to vector<1x1x1xf32>
      %reduce_min3A_43 = vector.extract %reduce_min3A_42[0, 0, 0] : f32 from vector<1x1x1xf32>
      %iota3A = tpu.iota {dimensions = array<i32: 0>} : vector<512x1xi32>
      %convert_element_type3A_44 = arith.sitofp %iota3A : vector<512x1xi32> to vector<512x1xf32>
      %add3A_45 = arith.constant 5.120000e+02 : f32
      %add3A_46 = vector.broadcast %add3A_45 : f32 to vector<512x1xf32>
      %add3A_47 = arith.addf %convert_element_type3A_44, %add3A_46 : vector<512x1xf32>
      %eq3A_48 = vector.broadcast %reduce_min3A_43 : f32 to vector<512x1xf32>
      %eq3A_49 = arith.cmpf oeq, %get3A_38, %eq3A_48 : vector<512x1xf32>
      %jit3A_50 = arith.constant 2.000000e+09 : f32
      %broadcast_in_dim3A_51 = vector.broadcast %jit3A_50 : f32 to vector<512x1xf32>
      %select_n3A_52 = arith.select %eq3A_49, %add3A_47, %broadcast_in_dim3A_51 : vector<512x1xi1>, vector<512x1xf32>
      %reduce_min3A_53 = vector.shape_cast %select_n3A_52 : vector<512x1xf32> to vector<1x512x1xf32>
      %reduce_min3A_54 = arith.constant dense<0x7F800000> : vector<1xf32>
      %reduce_min3A_55 = vector.multi_reduction <minimumf>, %reduce_min3A_53, %reduce_min3A_54 [1, 2] : vector<1x512x1xf32> to vector<1xf32>
      %reduce_min3A_56 = vector.shape_cast %reduce_min3A_55 : vector<1xf32> to vector<1x1x1xf32>
      %reduce_min3A_57 = vector.extract %reduce_min3A_56[0, 0, 0] : f32 from vector<1x1x1xf32>
      %le3A = arith.cmpf ole, %reduce_min3A_28, %reduce_min3A_43 : f32
      %select_n3A_58 = arith.select %le3A, %reduce_min3A_35, %reduce_min3A_57 : f32
      %convert_element_type3A_59 = arith.fptosi %select_n3A_58 : f32 to i32
      %dma_start3A = arith.constant 0 : i32
      %dma_start3A_60 = tpu.memref_slice %arg3[%convert_element_type3A_59, %dma_start3A] : memref<1024x1024xf32, #tpu.memory_space<any>> -> memref<1x1024xf32, #tpu.memory_space<any>>
      %dma_start3A_61 = tpu.memref_squeeze %dma_start3A_60 : memref<1x1024xf32, #tpu.memory_space<any>> -> memref<1024xf32, #tpu.memory_space<any>>
      tpu.enqueue_dma source(%dma_start3A_61 : memref<1024xf32, #tpu.memory_space<any>>) target(%arg7 : memref<1024xf32, #tpu.memory_space<vmem>>) target_semaphore(%arg9 : memref<!tpu.dma_semaphore, #tpu.memory_space<semaphore_mem>>)
      %dma_wait3A = arith.constant 0 : i32
      %dma_wait3A_62 = tpu.memref_slice %arg3[%convert_element_type3A_59, %dma_wait3A] : memref<1024x1024xf32, #tpu.memory_space<any>> -> memref<1x1024xf32, #tpu.memory_space<any>>
      %dma_wait3A_63 = tpu.memref_squeeze %dma_wait3A_62 : memref<1x1024xf32, #tpu.memory_space<any>> -> memref<1024xf32, #tpu.memory_space<any>>
      tpu.wait_dma2 semaphore(%arg9 : memref<!tpu.dma_semaphore, #tpu.memory_space<semaphore_mem>>) src(%dma_wait3A_63 : memref<1024xf32, #tpu.memory_space<any>>) dst(%arg7 : memref<1024xf32, #tpu.memory_space<vmem>>)
      %get3A_64 = arith.constant 0 : index
      %get3A_65 = vector.load %arg7[%get3A_64] : memref<1024xf32, #tpu.memory_space<vmem>>, vector<1024xf32>
      %mul3A_66 = arith.constant -5.000000e-01 : f32
      %mul3A_67 = vector.broadcast %mul3A_66 : f32 to vector<1024xf32>
      %mul3A_68 = arith.mulf %get3A_65, %mul3A_67 : vector<1024xf32>
      %exp3A = math.exp %mul3A_68 : vector<1024xf32>
      %iota3A_69 = tpu.iota {dimensions = array<i32: 0>} : vector<128x128xi32>
      %iota3A_70 = tpu.iota {dimensions = array<i32: 1>} : vector<128x128xi32>
      %eq3A_71 = arith.cmpi eq, %iota3A_69, %iota3A_70 : vector<128x128xi32>
      %convert_element_type3A_72 = arith.extui %eq3A_71 : vector<128x128xi1> to vector<128x128xi32>
      %convert_element_type3A_73 = arith.sitofp %convert_element_type3A_72 : vector<128x128xi32> to vector<128x128xf32>
      %slice3A = vector.extract_strided_slice %exp3A {offsets = [0], sizes = [128], strides = [1]} : vector<1024xf32> to vector<128xf32>
      %reshape3A = vector.shape_cast %slice3A : vector<128xf32> to vector<1x128xf32>
      %dot_general3A = arith.constant dense<0.000000e+00> : vector<128x1xf32>
      %dot_general3A_74 = tpu.matmul %convert_element_type3A_73, %reshape3A, %dot_general3A {dimension_numbers = #tpu.dot_dimension_numbers<[1], [1], [0], [0], [0, 0, 1, 0], [], []>, precision = #tpu.contract_precision<fp32>, transpose_lhs_hint = false} : vector<128x128xf32>, vector<1x128xf32>, vector<128x1xf32> -> vector<128x1xf32>
      %swap3A_75 = arith.constant 0 : index
      %swap3A_76 = arith.constant 0 : index
      %swap3A_77 = vector.load %arg8[%swap3A_75, %swap3A_76] : memref<1024x1xf32, #tpu.memory_space<vmem>>, vector<128x1xf32>
      tpu.vector_store %arg8[%swap3A_75, %swap3A_76], %dot_general3A_74 {strides = array<i32>} : memref<1024x1xf32, #tpu.memory_space<vmem>>, vector<128x1xf32>,
      %slice3A_78 = vector.extract_strided_slice %exp3A {offsets = [128], sizes = [128], strides = [1]} : vector<1024xf32> to vector<128xf32>
      %reshape3A_79 = vector.shape_cast %slice3A_78 : vector<128xf32> to vector<1x128xf32>
      %dot_general3A_80 = arith.constant dense<0.000000e+00> : vector<128x1xf32>
      %dot_general3A_81 = tpu.matmul %convert_element_type3A_73, %reshape3A_79, %dot_general3A_80 {dimension_numbers = #tpu.dot_dimension_numbers<[1], [1], [0], [0], [0, 0, 1, 0], [], []>, precision = #tpu.contract_precision<fp32>, transpose_lhs_hint = false} : vector<128x128xf32>, vector<1x128xf32>, vector<128x1xf32> -> vector<128x1xf32>
      %swap3A_82 = arith.constant 128 : index
      %swap3A_83 = arith.constant 0 : index
      %swap3A_84 = vector.load %arg8[%swap3A_82, %swap3A_83] : memref<1024x1xf32, #tpu.memory_space<vmem>>, vector<128x1xf32>
      tpu.vector_store %arg8[%swap3A_82, %swap3A_83], %dot_general3A_81 {strides = array<i32>} : memref<1024x1xf32, #tpu.memory_space<vmem>>, vector<128x1xf32>,
      %slice3A_85 = vector.extract_strided_slice %exp3A {offsets = [256], sizes = [128], strides = [1]} : vector<1024xf32> to vector<128xf32>
      %reshape3A_86 = vector.shape_cast %slice3A_85 : vector<128xf32> to vector<1x128xf32>
      %dot_general3A_87 = arith.constant dense<0.000000e+00> : vector<128x1xf32>
      %dot_general3A_88 = tpu.matmul %convert_element_type3A_73, %reshape3A_86, %dot_general3A_87 {dimension_numbers = #tpu.dot_dimension_numbers<[1], [1], [0], [0], [0, 0, 1, 0], [], []>, precision = #tpu.contract_precision<fp32>, transpose_lhs_hint = false} : vector<128x128xf32>, vector<1x128xf32>, vector<128x1xf32> -> vector<128x1xf32>
      %swap3A_89 = arith.constant 256 : index
      %swap3A_90 = arith.constant 0 : index
      %swap3A_91 = vector.load %arg8[%swap3A_89, %swap3A_90] : memref<1024x1xf32, #tpu.memory_space<vmem>>, vector<128x1xf32>
      tpu.vector_store %arg8[%swap3A_89, %swap3A_90], %dot_general3A_88 {strides = array<i32>} : memref<1024x1xf32, #tpu.memory_space<vmem>>, vector<128x1xf32>,
      %slice3A_92 = vector.extract_strided_slice %exp3A {offsets = [384], sizes = [128], strides = [1]} : vector<1024xf32> to vector<128xf32>
      %reshape3A_93 = vector.shape_cast %slice3A_92 : vector<128xf32> to vector<1x128xf32>
      %dot_general3A_94 = arith.constant dense<0.000000e+00> : vector<128x1xf32>
      %dot_general3A_95 = tpu.matmul %convert_element_type3A_73, %reshape3A_93, %dot_general3A_94 {dimension_numbers = #tpu.dot_dimension_numbers<[1], [1], [0], [0], [0, 0, 1, 0], [], []>, precision = #tpu.contract_precision<fp32>, transpose_lhs_hint = false} : vector<128x128xf32>, vector<1x128xf32>, vector<128x1xf32> -> vector<128x1xf32>
      %swap3A_96 = arith.constant 384 : index
      %swap3A_97 = arith.constant 0 : index
      %swap3A_98 = vector.load %arg8[%swap3A_96, %swap3A_97] : memref<1024x1xf32, #tpu.memory_space<vmem>>, vector<128x1xf32>
      tpu.vector_store %arg8[%swap3A_96, %swap3A_97], %dot_general3A_95 {strides = array<i32>} : memref<1024x1xf32, #tpu.memory_space<vmem>>, vector<128x1xf32>,
      %slice3A_99 = vector.extract_strided_slice %exp3A {offsets = [512], sizes = [128], strides = [1]} : vector<1024xf32> to vector<128xf32>
      %reshape3A_100 = vector.shape_cast %slice3A_99 : vector<128xf32> to vector<1x128xf32>
      %dot_general3A_101 = arith.constant dense<0.000000e+00> : vector<128x1xf32>
      %dot_general3A_102 = tpu.matmul %convert_element_type3A_73, %reshape3A_100, %dot_general3A_101 {dimension_numbers = #tpu.dot_dimension_numbers<[1], [1], [0], [0], [0, 0, 1, 0], [], []>, precision = #tpu.contract_precision<fp32>, transpose_lhs_hint = false} : vector<128x128xf32>, vector<1x128xf32>, vector<128x1xf32> -> vector<128x1xf32>
      %swap3A_103 = arith.constant 512 : index
      %swap3A_104 = arith.constant 0 : index
      %swap3A_105 = vector.load %arg8[%swap3A_103, %swap3A_104] : memref<1024x1xf32, #tpu.memory_space<vmem>>, vector<128x1xf32>
      tpu.vector_store %arg8[%swap3A_103, %swap3A_104], %dot_general3A_102 {strides = array<i32>} : memref<1024x1xf32, #tpu.memory_space<vmem>>, vector<128x1xf32>,
      %slice3A_106 = vector.extract_strided_slice %exp3A {offsets = [640], sizes = [128], strides = [1]} : vector<1024xf32> to vector<128xf32>
      %reshape3A_107 = vector.shape_cast %slice3A_106 : vector<128xf32> to vector<1x128xf32>
      %dot_general3A_108 = arith.constant dense<0.000000e+00> : vector<128x1xf32>
      %dot_general3A_109 = tpu.matmul %convert_element_type3A_73, %reshape3A_107, %dot_general3A_108 {dimension_numbers = #tpu.dot_dimension_numbers<[1], [1], [0], [0], [0, 0, 1, 0], [], []>, precision = #tpu.contract_precision<fp32>, transpose_lhs_hint = false} : vector<128x128xf32>, vector<1x128xf32>, vector<128x1xf32> -> vector<128x1xf32>
      %swap3A_110 = arith.constant 640 : index
      %swap3A_111 = arith.constant 0 : index
      %swap3A_112 = vector.load %arg8[%swap3A_110, %swap3A_111] : memref<1024x1xf32, #tpu.memory_space<vmem>>, vector<128x1xf32>
      tpu.vector_store %arg8[%swap3A_110, %swap3A_111], %dot_general3A_109 {strides = array<i32>} : memref<1024x1xf32, #tpu.memory_space<vmem>>, vector<128x1xf32>,
      %slice3A_113 = vector.extract_strided_slice %exp3A {offsets = [768], sizes = [128], strides = [1]} : vector<1024xf32> to vector<128xf32>
      %reshape3A_114 = vector.shape_cast %slice3A_113 : vector<128xf32> to vector<1x128xf32>
      %dot_general3A_115 = arith.constant dense<0.000000e+00> : vector<128x1xf32>
      %dot_general3A_116 = tpu.matmul %convert_element_type3A_73, %reshape3A_114, %dot_general3A_115 {dimension_numbers = #tpu.dot_dimension_numbers<[1], [1], [0], [0], [0, 0, 1, 0], [], []>, precision = #tpu.contract_precision<fp32>, transpose_lhs_hint = false} : vector<128x128xf32>, vector<1x128xf32>, vector<128x1xf32> -> vector<128x1xf32>
      %swap3A_117 = arith.constant 768 : index
      %swap3A_118 = arith.constant 0 : index
      %swap3A_119 = vector.load %arg8[%swap3A_117, %swap3A_118] : memref<1024x1xf32, #tpu.memory_space<vmem>>, vector<128x1xf32>
      tpu.vector_store %arg8[%swap3A_117, %swap3A_118], %dot_general3A_116 {strides = array<i32>} : memref<1024x1xf32, #tpu.memory_space<vmem>>, vector<128x1xf32>,
      %slice3A_120 = vector.extract_strided_slice %exp3A {offsets = [896], sizes = [128], strides = [1]} : vector<1024xf32> to vector<128xf32>
      %reshape3A_121 = vector.shape_cast %slice3A_120 : vector<128xf32> to vector<1x128xf32>
      %dot_general3A_122 = arith.constant dense<0.000000e+00> : vector<128x1xf32>
      %dot_general3A_123 = tpu.matmul %convert_element_type3A_73, %reshape3A_121, %dot_general3A_122 {dimension_numbers = #tpu.dot_dimension_numbers<[1], [1], [0], [0], [0, 0, 1, 0], [], []>, precision = #tpu.contract_precision<fp32>, transpose_lhs_hint = false} : vector<128x128xf32>, vector<1x128xf32>, vector<128x1xf32> -> vector<128x1xf32>
      %swap3A_124 = arith.constant 896 : index
      %swap3A_125 = arith.constant 0 : index
      %swap3A_126 = vector.load %arg8[%swap3A_124, %swap3A_125] : memref<1024x1xf32, #tpu.memory_space<vmem>>, vector<128x1xf32>
      tpu.vector_store %arg8[%swap3A_124, %swap3A_125], %dot_general3A_123 {strides = array<i32>} : memref<1024x1xf32, #tpu.memory_space<vmem>>, vector<128x1xf32>,
    } else {
    }
    %get3A = arith.constant 0 : index
    %get3A_2 = arith.constant 0 : index
    %get3A_3 = vector.load %arg5[%get3A, %get3A_2] : memref<128x512xf32, #tpu.memory_space<vmem>>, vector<128x512xf32>
    %mul3A = arith.constant 128 : i32
    %mul3A_4 = arith.muli %arg0, %mul3A : i32
    %get3A_5 = arith.index_cast %mul3A_4 : i32 to index
    %get3A_6 = arith.constant 0 : index
    %get3A_7 = vector.load %arg8[%get3A_5, %get3A_6] : memref<1024x1xf32, #tpu.memory_space<vmem>>, vector<128x1xf32>
    %mul3A_8 = arith.constant 1.000000e-01 : f32
    %mul3A_9 = vector.broadcast %mul3A_8 : f32 to vector<128x1xf32>
    %mul3A_10 = arith.mulf %mul3A_9, %get3A_7 : vector<128x1xf32>
    %get3A_11 = arith.constant 0 : index
    %get3A_12 = arith.constant 0 : index
    %get3A_13 = vector.load %arg4[%get3A_11, %get3A_12] : memref<1x512xf32, #tpu.memory_space<vmem>>, vector<1x512xf32>
    %sub3A = vector.broadcast %get3A_13 : vector<1x512xf32> to vector<128x512xf32>
    %sub3A_14 = arith.subf %sub3A, %get3A_3 : vector<128x512xf32>
    %mul3A_15 = vector.broadcast %mul3A_10 : vector<128x1xf32> to vector<128x512xf32>
    %mul3A_16 = arith.mulf %mul3A_15, %sub3A_14 : vector<128x512xf32>
    %add3A = arith.addf %get3A_3, %mul3A_16 : vector<128x512xf32>
    %swap3A = arith.constant 0 : index
    %swap3A_17 = arith.constant 0 : index
    %swap3A_18 = vector.load %arg6[%swap3A, %swap3A_17] : memref<128x512xf32, #tpu.memory_space<vmem>>, vector<128x512xf32>
    tpu.vector_store %arg6[%swap3A, %swap3A_17], %add3A {strides = array<i32>} : memref<128x512xf32, #tpu.memory_space<vmem>>, vector<128x512xf32>,
    return
  }
  func.func @transform_0(%arg0: i32) -> (i32, i32) {
    %c0_i32 = arith.constant 0 : i32
    %c0_i32_0 = arith.constant 0 : i32
    %c0_i32_1 = arith.constant 0 : i32
    return %c0_i32, %c0_i32_0 : i32, i32
  }
  func.func @transform_1(%arg0: i32) -> (i32, i32) {
    %c0_i32 = arith.constant 0 : i32
    %c0_i32_0 = arith.constant 0 : i32
    %c0_i32_1 = arith.constant 0 : i32
    return %c0_i32, %c0_i32_0 : i32, i32
  }
  func.func @transform_3(%arg0: i32) -> (i32, i32) {
    %c0_i32 = arith.constant 0 : i32
    %c0_i32_0 = arith.constant 0 : i32
    %c0_i32_1 = arith.constant 0 : i32
    return %c0_i32, %c0_i32_0 : i32, i32
  }
  func.func @transform_4(%arg0: i32) -> (i32, i32) {
    %c0_i32 = arith.constant 0 : i32
    %c0_i32_0 = arith.constant 0 : i32
    return %arg0, %c0_i32 : i32, i32
  }
  func.func @transform_5(%arg0: i32) -> (i32, i32) {
    %c0_i32 = arith.constant 0 : i32
    %c0_i32_0 = arith.constant 0 : i32
    return %arg0, %c0_i32 : i32, i32
  }
}

</mosaic_0001>

<sc_bundles>
// kernel: kernel.5.cloned.1.call-start
scs
__scs_entry_jumppad:
0x0: {  	(pc) =	sbr.rel $0x88, $3  }
0x1: {  	(tag) =	ssettag $0x0;
	lr =	simm.s32 $0x1  }
0x2: {  	[smem:$0x3F9E] =	sst lr;
	_ =	strace $0xD0000000  }
0x3: {  	_ = 	snop  }
0x4: {  	_ = 	snop  }
0x5: {  	_ = 	snop  }
0x6: {  	_ = 	snop  }
0x7: {  	_ = 	snop  }
__scs_overlays_trampoline_lowered:
0x8: {  	[smem:$0x3FAD] =	sst s0  }
0x9: {  	[smem:$0x3FAE] =	sst s1  }
0xa: {  	[smem:$0x3FAF] =	sst s2  }
0xb: {  	[smem:$0x3FB0] =	sst s3  }
0xc: {  	[smem:$0x3FB1] =	sst s4  }
0xd: {  	[smem:$0x3FB2] =	sst s5  }
0xe: {  	[smem:$0x3FB3] =	sst s6  }
0xf: {  	[smem:$0x3FB4] =	sst s7  }
0x10: {  	[smem:$0x3FB5] =	sst s8  }
0x11: {  	[smem:$0x3FB6] =	sst s9;
	s0 =	simm.s32 @!p0 $0x0  }
0x12: {  	s1 =	sld [smem:$0x3F9C];
	s0 =	simm.s32 @p0 $0x1  }
0x13: {  	[smem:$0x3FB7] =	sst s0;
	s0 =	simm.s32 @!p1 $0x0  }
0x14: {  	s2 =	sld [smem:$0x3F9B];
	s0 =	simm.s32 @p1 $0x1  }
0x15: {  	[smem:$0x3FB8] =	sst s0;
	s0 =	simm.s32 @!p2 $0x0  }
0x16: {  	s3 =	sld [smem:$0x3FDB];
	s0 =	simm.s32 @p2 $0x1  }
0x17: {  	s4 =	simm.s32 $0x1BF5;
	[smem:$0x3FBA] =	sst s0  }
0x18: {  	s0 =	sld [smem:$0x3F9D];
	_ =	swait.ge [sflag:s4], $0x0  }
0x19: {  	s7 =	sld [smem:$0x3F9E]  }
0x1a: {  	s8 =	sadd.s32 $0xFFFFE003, lr  }
0x1b: {  	s9 =	sadd.s32 $0xFFFFFEF7, lr;
	s5 =	simm.s32 $0xFFFFFFFF;
	p2 =	slt.u32 s8, $0xFFFFF086  }
0x1c: {  	p1 =	slt.u32 s9, $0xF7A;
	s5 =	simm.s32 @!p2 $0x0  }
0x1d: {  	s5 =	simm.s32 @p1 $0x1;
	p0 =	seq.s32 s7, s2  }
0x1e: {  	s7 =	smul.u32 @!p0 $0xF7A, s2;
	p2 =	seq.s32 @!p0 s5, $0x0  }
0x1f: {  	s9 =	smul.u32 $0xF7A, s1;
	s8 =	simm.s32 @!p0 $0x1BF5;
	p2 =	por !p2, p0  }
0x20: {  	[sflag:s8] =	ssyncset.s32 @!p0 $0xFFFFF086;
	s6 =	sadd.s32 @!p0 s3, s7;
	s7 =	simm.s32 @!p0 $0x108  }
0x21: {  	s3 =	sadd.s32 s3, s9;
	s6 =	sadd.s32 @!p0 $0x88, s6;
	s7 =	simm.s32 @p2 $0x1082  }
0x22: {  	[simem:s7], [sflag:s8] =	dma.local @!p0 [hbm:s6], $0xF7A  }
0x23: {  	s9 =	sor.u32 $0xD0000000, s2;
	s6 =	simm.s32 $0x108;
	_ =	swait.ge @!p0 [sflag:s8], $0x0  }
0x24: {  	s3 =	sadd.s32 $0x88, s3;
	s6 =	simm.s32 @!p1 $0x1082;
	[sflag:s4] =	ssyncset.s32 $0xFFFFF086  }
0x25: {  	[simem:s6], [sflag:s4] =	dma.local [hbm:s3], $0xF7A  }
0x26: {  	[smem:$0x3F9E] =	sst s1;
	(tag) =	ssettag s2;
	_ =	strace s9  }
0x27: {  	s1 =	sld [smem:$0x3FAE]  }
0x28: {  	s2 =	sld [smem:$0x3FAF]  }
0x29: {  	s4 =	sld [smem:$0x3FB1]  }
0x2a: {  	p0 =	seq.s32 s5, $0x0;
	s5 =	sld [smem:$0x3FB2]  }
0x2b: {  	s6 =	sld [smem:$0x3FB3]  }
0x2c: {  	s7 =	sld [smem:$0x3FB4]  }
0x2d: {  	s3 =	simm.s32 $0x108;
	s8 =	sld [smem:$0x3FB5]  }
0x2e: {  	s3 =	simm.s32 @!p0 $0x1082;
	s9 =	sld [smem:$0x3FB6]  }
0x2f: {  	lr =	sadd.s32 s0, s3;
	s0 =	sld [smem:$0x3FAD]  }
0x30: {  	s3 =	sld [smem:$0x3FB0]  }
0x31: {  	[smem:$0x3FB9] =	sst s10  }
0x32: {  	s10 =	sld [smem:$0x3FB7];
	_ =	sdelay $0x3  }
0x33: {  	p0 =	seq.s32 s10, $0x1;
	s10 =	sld [smem:$0x3FB9];
	_ =	sdelay $0x3  }
0x34: {  	[smem:$0x3FB9] =	sst s10  }
0x35: {  	s10 =	sld [smem:$0x3FB8];
	_ =	sdelay $0x3  }
0x36: {  	p1 =	seq.s32 s10, $0x1;
	s10 =	sld [smem:$0x3FB9];
	_ =	sdelay $0x3  }
0x37: {  	[smem:$0x3FB9] =	sst s10  }
0x38: {  	s10 =	sld [smem:$0x3FBA]  }
0x39: {  	_ = 	snop;
	(pc) =	sbr.ind lr, $3  }
0x3a: {  	_ = 	snop  }
0x3b: {  	_ = 	snop  }
0x3c: {  	p2 =	seq.s32 s10, $0x1;
	s10 =	sld [smem:$0x3FB9]  }
0x3d: {  	_ =	shalt  }
0x3e: {  	_ =	shalt  }
0x3f: {  	_ =	shalt  }
0x40: {  	_ =	shalt  }
0x41: {  	_ =	shalt  }
0x42: {  	_ =	shalt  }
0x43: {  	_ =	shalt  }
0x44: {  	_ =	shalt  }
0x45: {  	_ =	shalt  }
0x46: {  	_ =	shalt  }
0x47: {  	_ =	shalt  }
0x48: {  	_ =	shalt  }
0x49: {  	_ =	shalt  }
0x4a: {  	_ =	shalt  }
0x4b: {  	_ =	shalt  }
0x4c: {  	_ =	shalt  }
0x4d: {  	_ =	shalt  }
0x4e: {  	_ =	shalt  }
0x4f: {  	_ =	shalt  }
0x50: {  	_ =	shalt  }
0x51: {  	_ =	shalt  }
0x52: {  	_ =	shalt  }
0x53: {  	_ =	shalt  }
0x54: {  	_ =	shalt  }
0x55: {  	_ =	shalt  }
0x56: {  	_ =	shalt  }
0x57: {  	_ =	shalt  }
0x58: {  	_ =	shalt  }
0x59: {  	_ =	shalt  }
0x5a: {  	_ =	shalt  }
0x5b: {  	_ =	shalt  }
0x5c: {  	_ =	shalt  }
0x5d: {  	_ =	shalt  }
0x5e: {  	_ =	shalt  }
0x5f: {  	_ =	shalt  }
0x60: {  	_ =	shalt  }
0x61: {  	_ =	shalt  }
0x62: {  	_ =	shalt  }
0x63: {  	_ =	shalt  }
0x64: {  	_ =	shalt  }
0x65: {  	_ =	shalt  }
0x66: {  	_ =	shalt  }
0x67: {  	_ =	shalt  }
0x68: {  	_ =	shalt  }
0x69: {  	_ =	shalt  }
0x6a: {  	_ =	shalt  }
0x6b: {  	_ =	shalt  }
0x6c: {  	_ =	shalt  }
0x6d: {  	_ =	shalt  }
0x6e: {  	_ =	shalt  }
0x6f: {  	_ =	shalt  }
0x70: {  	_ =	shalt  }
0x71: {  	_ =	shalt  }
0x72: {  	_ =	shalt  }
0x73: {  	_ =	shalt  }
0x74: {  	_ =	shalt  }
0x75: {  	_ =	shalt  }
0x76: {  	_ =	shalt  }
0x77: {  	_ =	shalt  }
0x78: {  	_ =	shalt  }
0x79: {  	_ =	shalt  }
0x7a: {  	_ =	shalt  }
0x7b: {  	_ =	shalt  }
0x7c: {  	_ =	shalt  }
0x7d: {  	_ =	shalt  }
0x7e: {  	_ =	shalt  }
0x7f: {  	_ =	shalt  }
0x80: {  	_ =	shalt  }
0x81: {  	_ =	shalt  }
0x82: {  	_ =	shalt  }
0x83: {  	_ =	shalt  }
0x84: {  	_ =	shalt  }
0x85: {  	_ =	shalt  }
0x86: {  	_ =	shalt  }
0x87: {  	_ =	shalt  }
.Lfunc_end0:
.L_simem_size_0:
called_computation_lowered:
.L_overlay_start_0:
0x88: {  	s2 =	sld [smem:$0x3FD9]  }
0x89: {  	s3 =	sld [smem:$0x3FFE];
	_ =	sdelay $0x1  }
0x8a: {  	s1 =	srdreg.scid  }
0x8b: {  	s0 =	sand.u32 $0x1, s1  }
0x8c: {  	s18 =	sshll.u32 s0, $0xA;
	s2 =	sadd.s32 s3, s2  }
0x8d: {  	s2 =	sadd.s32 s2, s18  }
0x8e: {  	[smem:$0x3FC5] =	sst s2  }
0x8f: {  	_ = 	snop  }
0x90: {  	s2 =	sld [smem:$0x3FC9]  }
0x91: {  	s19 =	sld [smem:$0x3FC8]  }
0x92: {  	s4 =	sld [smem:$0x3FD0];
	(tm) =	ssettm $0x1  }
0x93: {  	s5 =	sld [smem:$0x3FFB];
	_ =	sdelay $0x3  }
0x94: {  	_ =	strace s5  }
0x95: {  	s5 =	sld [smem:$0x3FFC];
	_ =	sdelay $0x3  }
0x96: {  	_ =	strace s5  }
0x97: {  	s5 =	sld [smem:$0x3FFD];
	_ =	sdelay $0x3  }
0x98: {  	_ =	strace s5  }
0x99: {  	_ =	strace $0x8FFFFFFF  }
0x9a: {  	s20 =	sld [smem:$0x3FDB];
	_ =	sdelay $0x1  }
0x9b: {  	s6 =	simm.s32 $_scs_section_size  }
0x9c: {  	s7 =	simm.s32 $_size__tile_overlayer_lowered;
	s8 =	simm.s32 $_tile_overlayer_lowered  }
0x9d: {  	s23 =	simm.s32 $0x1BFF;
	s22 =	sshll.u32 s8, $0x1;
	s5 =	sadd.s32 s6, s20  }
0x9e: {  	s9 =	simm.s32 $0x0;
	s21 =	sshll.u32 s7, $0x1;
	s7 =	sadd.s32 s22, s5  }
0x9f: {  	[timem:s9], [sflag:s23] =	dma.local [hbm:s7], s21  }
0xa0: {  	_ =	swait.ge [sflag:s23], s21  }
0xa1: {  	s6 =	ssub.s32 $0x0, s21;
	[sflag:s23] =	ssyncset.done $0x0  }
0xa2: {  	[sflag:s23] =	ssyncadd.s32 s6;
	_ =	sdelay $0x1  }
0xa3: {  	s24 =	simm.s32 $0x1B8B  }
0xa4: {  	_ =	swait.ge [sflag:s24], $0x1  }
0xa5: {  	[sflag:s24] =	ssyncset.done $0x0  }
0xa6: {  	s25 =	simm.s32 $0x1B8E;
	[sflag:s24] =	ssyncadd.s32 $0xFFFFFFFF  }
0xa7: {  	s26 =	simm.s32 $execute0_lowered;
	[smem:$0x3FD2] =	sst s25  }
0xa8: {  	s6 =	sshll.u32 s26, $0x1;
	_ =	strace $0x80000046;
	[dreg:$0x1] =	wrdreg $0xFFFFFFFF  }
0xa9: {  	s28 =	simm.s32 $_size_execute0_lowered;
	s5 =	sadd.s32 s5, s6;
	[dreg:$0x0] =	wrdreg $0x0  }
0xaa: {  	s6 =	sshll.u32 s28, $0x1;
	[dreg:$0x2] =	wrdreg s5  }
0xab: {  	[dreg:$0x3] =	wrdreg s6  }
0xac: {  	[dreg:$0x4] =	wrdreg $0xC0  }
0xad: {  	_ =	task [dreg:s9], $0x5FFFF  }
0xae: {  	[dreg:$0x1] =	wrdreg $0xFFFFFFFF  }
0xaf: {  	[dreg:$0x0] =	wrdreg $0x60  }
0xb0: {  	[dreg:$0x2] =	wrdreg s2  }
0xb1: {  	[dreg:$0x3] =	wrdreg s19  }
0xb2: {  	[dreg:$0x4] =	wrdreg s4  }
0xb3: {  	[dreg:$0x5] =	wrdreg $0x9  }
0xb4: {  	_ =	task.clear_ibuf [dreg:s9], $0x6FFFF;
	_ =	strace $0x90000046  }
0xb5: {  	s29 =	simm.s32 $0x9;
	_ =	strace $0x80000048  }
0xb6: {  	_ =	swait.ge [sflag:s29], $0x1  }
0xb7: {  	[sflag:s29] =	ssyncadd.s32 $0xFFFFFFFF  }
0xb8: {  	_ =	strace $0x90000048  }
0xb9: {  	_ =	sfence  }
0xba: {  	s30 =	sld [smem:$0x0];
	_ =	sdelay $0x2  }
0xbb: {  	s31 =	sshll.u32 s1, $0xD;
	s1 =	sshrl.u32 s1, $0x2  }
0xbc: {  	s3 =	sand.u32 $0x4000, s31;
	s1 =	sadd.s32 s1, s30  }
0xbd: {  	s0 =	sor.u32 s3, s0;
	s1 =	sshll.u32 s1, $0x11  }
0xbe: {  	s0 =	sor.u32 s1, s0  }
0xbf: {  	s0 =	sadd.s32 $0x8F2B, s0  }
0xc0: {  	[sflag:s0] =	ssyncadd.remote.s32 $0x1  }
0xc1: {  	_ =	sfence.sel $0xFFFF  }
0xc2: {  	[dreg:$0x0] =	wrdreg $0xFFFFFFFF;
	(pc) =	sbr.abs _section_cstart, $3  }
0xc3: {  	[dreg:$0x1] =	wrdreg $0xFFFFFFFF  }
0xc4: {  	_ =	task.clear_ibuf [dreg:s9], $0x2FFFF;
	_ =	strace $0x9FFFFFFF  }
0xc5: {  	(tm) =	ssettm $0x7FFFFFFF  }
tec
execute0_lowered:
.L_overlay_start_1:
0x0: {  	(tag) =	ssettag $0x1  }
0x1: {  	s0 =	srdreg.scid  }
0x2: {  	s4 =	sand.u32 $0x1, s0  }
0x3: {  	s0 =	stileid.u32;
	s1 =	sshll.u32 s4, $0x4  }
0x4: {  	s5 =	sor.u32 s0, s1  }
0x5: {  	v1 =	vlaneseq.u32;
	s6 =	sshll.u32 s5, $0x4  }
0x6: {  	v0 =	vmul.u32 $0x10, v1;
	v1 =	vor.u32 s6, v1  }
0x7: {  	v1 =	vcvt.s32.f32 v1;
	_ =	sdelay $0x1  }
0x8: {  	[tilespmem:$0x1FF20] =	vst v1;
	v1 =	vor.u32 $0x1, v0  }
0x9: {  	[tilespmem:$0x1FF30] =	vst v1;
	v1 =	vor.u32 $0x2, v0  }
0xa: {  	[tilespmem:$0x1FF40] =	vst v1;
	v1 =	vor.u32 $0x3, v0  }
0xb: {  	[tilespmem:$0x1FF50] =	vst v1;
	v1 =	vor.u32 $0x4, v0  }
0xc: {  	[tilespmem:$0x1FF60] =	vst v1;
	v1 =	vor.u32 $0x5, v0  }
0xd: {  	v2 =	vimm.s32 $0x32107654;
	[tilespmem:$0x1FF70] =	vst v1;
	v1 =	vor.u32 $0x6, v0  }
0xe: {  	v4 =	vimm.s32 $0xFEDCBA98;
	v5 =	vimm.s32 $0xDCFE98BA;
	[tilespmem:$0x1FF80] =	vst v1;
	v1 =	vor.u32 $0x7, v0  }
0xf: {  	v62 =	vimm.s32 $0x54761032;
	v6 =	vimm.s32 $0xEFCDAB89;
	[tilespmem:$0x1FF90] =	vst v1;
	v1 =	vor.u32 $0x8, v0  }
0x10: {  	v7 =	vimm.s32 $0x67452301;
	v3 =	vor.u32 $0x9, v0;
	[tilespmem:$0x1FFA0] =	vst v1;
	v1 =	vimm.s32 $0xBA98FEDC  }
0x11: {  	v2 =	vunpack.c.l.s4.s8 v2;
	[tilespmem:$0x1FFB0] =	vst v3;
	v3 =	vor.u32 $0xA, v0;
	v1 =	vunpack.c.l.s4.s8 v1  }
0x12: {  	s7 =	rddreg [dreg:$0x1];
	vm0 =	vcmask $0x3F08;
	v4 =	vunpack.c.l.s4.s8 v4;
	[tilespmem:$0x1FFC0] =	vst v3;
	v3 =	vor.u32 $0xB, v0  }
0x13: {  	s8 =	rddreg [dreg:$0x2];
	v2 =	vunpack.c.0.s8.s32 v2;
	[tilespmem:$0x1FFD0] =	vst v3;
	v3 =	vor.u32 $0xC, v0;
	v1 =	vunpack.c.0.s8.s32 v1  }
0x14: {  	s2 =	rddreg [dreg:$0x3];
	v6 =	vunpack.c.l.s4.s8 v6;
	v7 =	vunpack.c.l.s4.s8 v7;
	[tilespmem:$0x1FFE0] =	vst v3;
	v3 =	vor.u32 $0xD, v0  }
0x15: {  	s3 =	simm.s32 $0x0;
	s11 =	simm.s32 $0x2200;
	s12 =	simm.s32 $0x0;
	v1 =	vcombine.low v2, v1;
	v2 =	vunpack.c.l.s4.s8 v5;
	v5 =	vunpack.c.l.s4.s8 v62  }
0x16: {  	[smem:$0x7FF] =	sst s3;
	s4 =	ssub.s32 $0x2, s4;
	s10 =	sshll.u32 s0, $0x4;
	v6 =	vunpack.c.0.s8.s32 v6;
	v7 =	vunpack.c.0.s8.s32 v7;
	[tilespmem:$0x1FFF0] =	vst v3;
	v3 =	vimm.s32 $0x76543210  }
0x17: {  	s1 =	rddreg [dreg:$0x0];
	s9 =	sshrl.u32 s4, $0x1;
	s31 =	sand.u32 $0x70, s10;
	v3 =	vunpack.c.l.s4.s8 v3;
	v2 =	vunpack.c.0.s8.s32 v2;
	v5 =	vunpack.c.0.s8.s32 v5  }
0x18: {  	vm1 =	vmmov $0x1;
	v4 =	vunpack.c.0.s8.s32 v4;
	s10 =	simm.s32 $0x2280;
	s9 =	ssub.s32 s4, s9;
	s5 =	sshll.u32 s5, $0xA;
	v63 =	vcombine.low v7, v6  }
0x19: {  	v15 =	vor.u32 $0xE, v0;
	s8 =	sadd.s32 s8, s31;
	s6 =	sand.u32 $0x180, s6;
	s4 =	sadd.s32 s7, s5;
	v3 =	vunpack.c.0.s8.s32 v3;
	v2 =	vcombine.low v5, v2  }
0x1a: {  	v16 =	vor.u32 $0xF, v0;
	v4 =	vand.u32 $0xF, v4;
	s7 =	simm.s32 $0x200;
	s5 =	sadd.s32 s6, s8;
	s6 =	smax.u32 s9, $0x1;
	v20 =	vand.u32 $0xF, v63  }
0x1b: {  	s8 =	simm.s32 $0x2;
	s9 =	simm.s32 $0x1;
	v17 =	vcombine.low v4, v3;
	_ =	strace $0x80000047;
	v18 =	vand.u32 $0xF, v1;
	v19 =	vand.u32 $0xF, v2  }
.LBB2_1:
0x1c: {  	[tilespmem:s7], [sflag:$0x1] =	stream.linear.gather [hbm4b:s4+s3], $0x2000, $0x38;
	[tilespmem:$0x2380] =	vst v63  }
0x1d: {  	_ = 	snop  }
0x1e: {  	[tilespmem:s3], [sflag:$0x2] =	stream.linear.gather [hbm4b:s1+s3], $0x200, $0x38;
	[tilespmem:$0x2380] =	vst v63  }
0x1f: {  	_ =	swait.ge [sflag:s8], $0x200  }
0x20: {  	[sflag:s8] =	ssyncset.done $0x0  }
0x21: {  	[sflag:s8] =	ssyncadd.s32 $0xFFFFFE00  }
0x22: {  	v28 =	vld [tilespmem:$0x0]  }
0x23: {  	v29 =	vld [tilespmem:$0x10]  }
0x24: {  	v31 =	vld [tilespmem:$0x20]  }
0x25: {  	v32 =	vld [tilespmem:$0x30]  }
0x26: {  	v33 =	vld [tilespmem:$0x40]  }
0x27: {  	v34 =	vld [tilespmem:$0x50]  }
0x28: {  	v35 =	vld [tilespmem:$0x60]  }
0x29: {  	v36 =	vld [tilespmem:$0x70]  }
0x2a: {  	v37 =	vld [tilespmem:$0x80]  }
0x2b: {  	v38 =	vld [tilespmem:$0x90]  }
0x2c: {  	v39 =	vld [tilespmem:$0xA0]  }
0x2d: {  	v40 =	vld [tilespmem:$0xB0]  }
0x2e: {  	v41 =	vld [tilespmem:$0xC0]  }
0x2f: {  	v42 =	vld [tilespmem:$0xD0]  }
0x30: {  	v43 =	vld [tilespmem:$0xE0]  }
0x31: {  	v44 =	vld [tilespmem:$0xF0]  }
0x32: {  	v26 =	vld [tilespmem:$0x100]  }
0x33: {  	v30 =	vld [tilespmem:$0x110]  }
0x34: {  	v46 =	vld [tilespmem:$0x120]  }
0x35: {  	v47 =	vld [tilespmem:$0x130]  }
0x36: {  	v25 =	vld [tilespmem:$0x140]  }
0x37: {  	v27 =	vld [tilespmem:$0x150]  }
0x38: {  	v49 =	vld [tilespmem:$0x160]  }
0x39: {  	v51 =	vld [tilespmem:$0x170]  }
0x3a: {  	v24 =	vld [tilespmem:$0x180]  }
0x3b: {  	v23 =	vld [tilespmem:$0x190]  }
0x3c: {  	v48 =	vld [tilespmem:$0x1A0]  }
0x3d: {  	v52 =	vld [tilespmem:$0x1B0]  }
0x3e: {  	v22 =	vld [tilespmem:$0x1C0]  }
0x3f: {  	v21 =	vld [tilespmem:$0x1D0]  }
0x40: {  	v45 =	vld [tilespmem:$0x1E0]  }
0x41: {  	v50 =	vld [tilespmem:$0x1F0];
	_ =	swait.ge [sflag:s9], $0x2000  }
0x42: {  	s13 =	sand.u32 $0x1000, s3;
	s14 =	sand.u32 $0x380, s3;
	[sflag:s9] =	ssyncset.done $0x0  }
0x43: {  	s13 =	sor.u32 s14, s13;
	[sflag:s9] =	ssyncadd.s32 $0xFFFFE000  }
0x44: {  	v1 =	vld [tilespmem:s13+$0x600]  }
0x45: {  	v3 =	vld [tilespmem:s13+$0x620]  }
0x46: {  	v4 =	vld [tilespmem:s13+$0x630]  }
0x47: {  	v5 =	vld [tilespmem:s13+$0x270]  }
0x48: {  	v6 =	vld [tilespmem:s13+$0x260]  }
0x49: {  	v7 =	vld [tilespmem:s13+$0x250]  }
0x4a: {  	v8 =	vld [tilespmem:s13+$0x240]  }
0x4b: {  	v53 =	vld [tilespmem:s13+$0x230]  }
0x4c: {  	v54 =	vld [tilespmem:s13+$0x220]  }
0x4d: {  	v55 =	vld [tilespmem:s13+$0x670]  }
0x4e: {  	v2 =	vld [tilespmem:s13+$0x610];
	v3 =	vsub.f32 v3, v39  }
0x4f: {  	v56 =	vld [tilespmem:s13+$0x200];
	v4 =	vsub.f32 v4, v40;
	v6 =	vsub.f32 v6, v35  }
0x50: {  	v57 =	vld [tilespmem:s13+$0x210];
	v5 =	vsub.f32 v5, v36;
	v8 =	vsub.f32 v8, v33  }
0x51: {  	v58 =	vld [tilespmem:s13+$0x660];
	v53 =	vsub.f32 v53, v32;
	v7 =	vsub.f32 v7, v34  }
0x52: {  	v9 =	vld [tilespmem:s13+$0xA20];
	v54 =	vsub.f32 v54, v31;
	v55 =	vsub.f32 v55, v44  }
0x53: {  	v59 =	vld [tilespmem:s13+$0x640];
	v2 =	vsub.f32 v2, v38;
	v3 =	vmul.f32 v3, v3;
	v4 =	vmul.f32 v4, v4  }
0x54: {  	v60 =	vld [tilespmem:s13+$0xA30];
	v56 =	vsub.f32 v56, v28;
	v5 =	vmul.f32 v5, v5;
	v8 =	vmul.f32 v8, v8  }
0x55: {  	v62 =	vld [tilespmem:s13+$0x650];
	v1 =	vsub.f32 v1, v37;
	v61 =	vmul.f32 v53, v53;
	v6 =	vmul.f32 v6, v6  }
0x56: {  	v57 =	vsub.f32 v57, v29;
	v63 =	vmul.f32 v54, v54;
	v7 =	vmul.f32 v7, v7  }
0x57: {  	v11 =	vld [tilespmem:s13+$0xA70];
	v9 =	vsub.f32 v9, v46;
	v53 =	vmul.f32 v2, v2;
	v10 =	vmul.f32 v1, v1  }
0x58: {  	v12 =	vld [tilespmem:s13+$0xA60];
	v1 =	vsub.f32 v59, v41;
	v2 =	vadd.f32 v5, v61;
	v5 =	vmul.f32 v56, v56  }
0x59: {  	v54 =	vld [tilespmem:s13+$0xA10];
	v56 =	vsub.f32 v60, v47;
	v60 =	vmul.f32 v57, v57;
	v57 =	vsub.f32 v58, v43  }
0x5a: {  	v6 =	vadd.f32 v6, v63;
	v58 =	vmul.f32 v1, v1;
	v1 =	vsub.f32 v62, v42;
	v62 =	vld [tilespmem:s13+$0xE30]  }
0x5b: {  	v61 =	vld [tilespmem:s13+$0xE20];
	v4 =	vadd.f32 v4, v2;
	v63 =	vmul.f32 v57, v57;
	v57 =	vmul.f32 v56, v56  }
0x5c: {  	v13 =	vadd.f32 v8, v5;
	v5 =	vadd.f32 v3, v6;
	v56 =	vmul.f32 v1, v1;
	v1 =	vld [tilespmem:s13+$0xE70]  }
0x5d: {  	s15 =	simm.s32 $0x200;
	v59 =	vmul.f32 v55, v55;
	v60 =	vadd.f32 v7, v60;
	v8 =	vsub.f32 v11, v51;
	v2 =	vld [tilespmem:s13+$0xE60]  }
0x5e: {  	s16 =	simm.s32 $0x2280;
	s17 =	simm.s32 $0x0;
	s14 =	simm.s32 $0x2280;
	v55 =	vld [tilespmem:s13+$0xA00];
	v3 =	vmul.f32 v9, v9;
	v7 =	vsub.f32 v12, v49;
	v6 =	vadd.f32 v10, v13  }
.LBB2_2:
0x5f: {  	p0 =	sne.s32 s15, $0x1E00;
	v4 =	vadd.f32 v59, v4;
	v8 =	vmul.f32 v8, v8;
	v9 =	vsub.f32 v62, v52;
	s16 =	sadd.s32 $0x10, s16;
	s17 =	sadd.s32 $0x80, s17  }
0x60: {  	v5 =	vadd.f32 v63, v5;
	s18 =	smov.u32 s15;
	s15 =	sadd.s32 $0x200, s15;
	v10 =	vld [tilespmem:s13+$0xA50];
	v7 =	vmul.f32 v7, v7;
	v11 =	vsub.f32 v61, v48  }
0x61: {  	v6 =	vadd.f32 v58, v6;
	v9 =	vmul.f32 v9, v9;
	v1 =	vsub.f32 v1, v50  }
0x62: {  	v3 =	vadd.f32 v3, v5;
	v5 =	vld [tilespmem:s13+$0xA40];
	v11 =	vmul.f32 v11, v11;
	v2 =	vsub.f32 v2, v45  }
0x63: {  	v12 =	vadd.f32 v53, v60;
	v13 =	vsub.f32 v54, v30;
	v53 =	vld [tilespmem:s13+$0xE10];
	v1 =	vmul.f32 v1, v1  }
0x64: {  	v4 =	vadd.f32 v57, v4;
	v3 =	vadd.f32 v7, v3;
	v7 =	vld [tilespmem:s13+$0xE00];
	v2 =	vmul.f32 v2, v2  }
0x65: {  	v54 =	vsub.f32 v55, v26;
	v13 =	vmul.f32 v13, v13;
	v10 =	vsub.f32 v10, v27  }
0x66: {  	v4 =	vadd.f32 v8, v4;
	v3 =	vadd.f32 v11, v3;
	v8 =	vld [tilespmem:s13+$0xE50]  }
0x67: {  	v11 =	vadd.f32 v56, v12;
	v12 =	vmul.f32 v54, v54;
	v5 =	vsub.f32 v5, v25;
	v54 =	vld [tilespmem:s13+$0xE40]  }
0x68: {  	v4 =	vadd.f32 v9, v4;
	v10 =	vmul.f32 v10, v10;
	v2 =	vadd.f32 v2, v3  }
0x69: {  	v3 =	vadd.f32 v12, v6;
	v6 =	vsub.f32 v53, v23;
	v5 =	vmul.f32 v5, v5  }
0x6a: {  	v1 =	vadd.f32 v1, v4;
	v7 =	vsub.f32 v7, v24  }
0x6b: {  	v4 =	vadd.f32 v13, v11;
	v3 =	vadd.f32 v5, v3;
	v5 =	vmul.f32 v6, v6  }
0x6c: {  	v6 =	vmul.f32 v7, v7;
	v8 =	vsub.f32 v8, v21;
	v7 =	vsub.f32 v54, v22  }
0x6d: {  	v4 =	vadd.f32 v10, v4  }
0x6e: {  	v3 =	vadd.f32 v6, v3;
	v6 =	vmul.f32 v7, v7;
	v7 =	vmul.f32 v8, v8  }
0x6f: {  	v4 =	vadd.f32 v5, v4  }
0x70: {  	v3 =	vadd.f32 v6, v3  }
0x71: {  	v1 =	vadd.f32 v1, v2;
	v4 =	vadd.f32 v7, v4;
	_ =	sdelay $0x1  }
0x72: {  	v2 =	vadd.f32 v4, v3;
	_ =	sdelay $0x1  }
0x73: {  	v1 =	vadd.f32 v1, v2  }
0x74: {  	s13 =	sand.u32 $0x1000, s18;
	s18 =	sand.u32 $0x380, s17  }
0x75: {  	s13 =	sor.u32 s18, s13;
	[tilespmem:s14+$0x0] =	vst v1;
	s14 =	smov.u32 s16  }
0x76: {  	v1 =	vld [tilespmem:s13+$0x600]  }
0x77: {  	v2 =	vld [tilespmem:s13+$0x610]  }
0x78: {  	v3 =	vld [tilespmem:s13+$0x670]  }
0x79: {  	v4 =	vld [tilespmem:s13+$0x620]  }
0x7a: {  	v5 =	vld [tilespmem:s13+$0x630]  }
0x7b: {  	v6 =	vld [tilespmem:s13+$0x270]  }
0x7c: {  	v7 =	vld [tilespmem:s13+$0x260]  }
0x7d: {  	v8 =	vld [tilespmem:s13+$0x250]  }
0x7e: {  	v9 =	vld [tilespmem:s13+$0x240];
	v4 =	vsub.f32 v4, v39  }
0x7f: {  	v10 =	vld [tilespmem:s13+$0x230];
	v5 =	vsub.f32 v5, v40  }
0x80: {  	v11 =	vld [tilespmem:s13+$0x220]  }
0x81: {  	v12 =	vld [tilespmem:s13+$0x210];
	v7 =	vsub.f32 v7, v35  }
0x82: {  	v6 =	vsub.f32 v6, v36;
	v13 =	vld [tilespmem:s13+$0x200]  }
0x83: {  	v56 =	vmul.f32 v4, v4;
	v4 =	vmul.f32 v5, v5;
	v9 =	vsub.f32 v9, v33;
	v5 =	vld [tilespmem:s13+$0x660]  }
0x84: {  	v8 =	vsub.f32 v8, v34;
	v6 =	vmul.f32 v6, v6;
	v10 =	vsub.f32 v10, v32;
	v55 =	vld [tilespmem:s13+$0x640]  }
0x85: {  	v3 =	vsub.f32 v3, v44;
	v11 =	vsub.f32 v11, v31;
	v9 =	vmul.f32 v9, v9;
	v57 =	vld [tilespmem:s13+$0xA30]  }
0x86: {  	v2 =	vsub.f32 v2, v38;
	v7 =	vmul.f32 v7, v7;
	v10 =	vmul.f32 v10, v10;
	v60 =	vld [tilespmem:s13+$0x650]  }
0x87: {  	v1 =	vsub.f32 v1, v37;
	v13 =	vsub.f32 v13, v28;
	v11 =	vmul.f32 v11, v11;
	v61 =	vld [tilespmem:s13+$0xA20]  }
0x88: {  	v53 =	vmul.f32 v2, v2;
	v8 =	vmul.f32 v8, v8;
	v12 =	vsub.f32 v12, v29;
	v54 =	vld [tilespmem:s13+$0xA10]  }
0x89: {  	v2 =	vadd.f32 v6, v10;
	v6 =	vmul.f32 v1, v1;
	v1 =	vsub.f32 v55, v41;
	v55 =	vld [tilespmem:s13+$0xA00]  }
0x8a: {  	v59 =	vmul.f32 v3, v3;
	v10 =	vmul.f32 v13, v13;
	v3 =	vsub.f32 v57, v47;
	v13 =	vld [tilespmem:s13+$0xA70]  }
0x8b: {  	v12 =	vmul.f32 v12, v12;
	v5 =	vsub.f32 v5, v43;
	v7 =	vadd.f32 v7, v11;
	v11 =	vld [tilespmem:s13+$0xA60]  }
.Ltmp0:
0x8c: {  	v58 =	vmul.f32 v1, v1;
	v1 =	vsub.f32 v60, v42;
	v14 =	vsub.f32 v61, v46;
	v62 =	vld [tilespmem:s13+$0xE30];
	(pc) =	sbr.rel @p0 .LBB2_2-.Ltmp0, $4  }
0x8d: {  	v4 =	vadd.f32 v4, v2;
	v63 =	vmul.f32 v5, v5;
	v57 =	vmul.f32 v3, v3;
	v61 =	vld [tilespmem:s13+$0xE20]  }
0x8e: {  	v9 =	vadd.f32 v9, v10;
	v5 =	vadd.f32 v56, v7;
	v56 =	vmul.f32 v1, v1;
	v1 =	vld [tilespmem:s13+$0xE70]  }
0x8f: {  	v60 =	vadd.f32 v8, v12;
	v3 =	vmul.f32 v14, v14;
	v8 =	vsub.f32 v13, v51;
	v2 =	vld [tilespmem:s13+$0xE60]  }
0x90: {  	v6 =	vadd.f32 v6, v9;
	v7 =	vsub.f32 v11, v49  }
0x91: {  	v4 =	vadd.f32 v59, v4;
	v9 =	vsub.f32 v62, v52  }
0x92: {  	v5 =	vadd.f32 v63, v5;
	v10 =	vld [tilespmem:s13+$0xA50];
	v47 =	vadd.f32 v53, v60  }
0x93: {  	v8 =	vmul.f32 v8, v8;
	v12 =	vld [tilespmem:s13+$0xA40];
	v13 =	vsub.f32 v54, v30;
	v26 =	vsub.f32 v55, v26  }
0x94: {  	v14 =	vld [tilespmem:s13+$0xE00];
	v11 =	vsub.f32 v61, v48;
	v6 =	vadd.f32 v58, v6;
	v7 =	vmul.f32 v7, v7  }
0x95: {  	v49 =	vld [tilespmem:s13+$0xE40];
	v1 =	vsub.f32 v1, v50;
	v3 =	vadd.f32 v3, v5;
	v46 =	vmul.f32 v9, v9  }
0x96: {  	v28 =	vld [tilespmem:s13+$0xE10];
	v4 =	vadd.f32 v57, v4;
	v26 =	vmul.f32 v26, v26;
	v9 =	vadd.f32 v56, v47  }
0x97: {  	v50 =	vld [tilespmem:s13+$0xE50];
	v13 =	vmul.f32 v13, v13;
	v2 =	vsub.f32 v2, v45;
	v3 =	vadd.f32 v7, v3  }
0x98: {  	v11 =	vmul.f32 v11, v11;
	v4 =	vadd.f32 v8, v4;
	v12 =	vsub.f32 v12, v25  }
0x99: {  	v1 =	vmul.f32 v1, v1;
	v6 =	vadd.f32 v26, v6;
	v48 =	vsub.f32 v10, v27  }
0x9a: {  	v9 =	vadd.f32 v13, v9;
	v10 =	vsub.f32 v49, v22;
	v51 =	vmul.f32 v12, v12  }
0x9b: {  	v59 =	vld [tilespmem:$0x1FF80];
	v12 =	vsub.f32 v14, v24;
	v7 =	vmul.f32 v48, v48;
	v14 =	vsub.f32 v28, v23  }
0x9c: {  	v60 =	vld [tilespmem:$0x1FF90];
	v2 =	vmul.f32 v2, v2;
	v8 =	vsub.f32 v50, v21;
	v6 =	vadd.f32 v51, v6  }
0x9d: {  	v62 =	vld [tilespmem:$0x1FFB0];
	v52 =	vmul.f32 v12, v12;
	v12 =	vmul.f32 v14, v14;
	v7 =	vadd.f32 v7, v9  }
0x9e: {  	v63 =	vld [tilespmem:$0x1FFC0];
	v3 =	vadd.f32 v11, v3;
	v4 =	vadd.f32 v46, v4;
	v54 =	vmul.f32 v10, v10  }
0x9f: {  	v58 =	vld [tilespmem:$0x1FF70];
	v8 =	vmul.f32 v8, v8;
	v53 =	vadd.f32 v52, v6;
	v7 =	vadd.f32 v12, v7  }
0xa0: {  	v61 =	vld [tilespmem:$0x1FFA0];
	v2 =	vadd.f32 v2, v3;
	v1 =	vadd.f32 v1, v4  }
0xa1: {  	v56 =	vld [tilespmem:$0x1FF50];
	v3 =	vadd.f32 v54, v53;
	v55 =	vadd.f32 v8, v7  }
0xa2: {  	v57 =	vld [tilespmem:$0x1FF60]  }
0xa3: {  	v13 =	vld [tilespmem:$0x1FFE0];
	v1 =	vadd.f32 v1, v2;
	v2 =	vadd.f32 v55, v3  }
0xa4: {  	v14 =	vld [tilespmem:$0x1FFF0]  }
0xa5: {  	v12 =	vld [tilespmem:$0x1FFD0];
	v1 =	vadd.f32 v1, v2  }
0xa6: {  	v3 =	vld [tilespmem:$0x1FF40]  }
0xa7: {  	v2 =	vld [tilespmem:$0x1FF30];
	[tilespmem:s14+$0x0] =	vst v1  }
0xa8: {  	v1 =	vld.idx.msk [tilespmem:v0+s10+$0x0], $0xffff  }
0xa9: {  	v4 =	vld.idx.msk [tilespmem:v56+s10+$0x0], $0xffff  }
0xaa: {  	v5 =	vld.idx.msk [tilespmem:v57+s10+$0x0], $0xffff  }
0xab: {  	v6 =	vld.idx.msk [tilespmem:v58+s10+$0x0], $0xffff  }
0xac: {  	v7 =	vld.idx.msk [tilespmem:v59+s10+$0x0], $0xffff  }
0xad: {  	v8 =	vld.idx.msk [tilespmem:v60+s10+$0x0], $0xffff  }
0xae: {  	v9 =	vld.idx.msk [tilespmem:v61+s10+$0x0], $0xffff  }
0xaf: {  	v10 =	vld.idx.msk [tilespmem:v62+s10+$0x0], $0xffff  }
0xb0: {  	v11 =	vld.idx.msk [tilespmem:v63+s10+$0x0], $0xffff  }
0xb1: {  	v12 =	vld.idx.msk [tilespmem:v12+s10+$0x0], $0xffff  }
0xb2: {  	v13 =	vld.idx.msk [tilespmem:v13+s10+$0x0], $0xffff  }
0xb3: {  	v14 =	vld.idx.msk [tilespmem:v14+s10+$0x0], $0xffff  }
0xb4: {  	v21 =	vld.idx.msk [tilespmem:v15+s10+$0x0], $0xffff  }
0xb5: {  	v22 =	vld.idx.msk [tilespmem:v16+s10+$0x0], $0xffff  }
0xb6: {  	v3 =	vld.idx.msk [tilespmem:v3+s10+$0x0], $0xffff  }
0xb7: {  	v2 =	vld.idx.msk [tilespmem:v2+s10+$0x0], $0xffff;
	_ =	sdelay $0x1  }
0xb8: {  	v1 =	vadd.f32 v9, v1;
	v4 =	vadd.f32 v12, v4  }
0xb9: {  	v5 =	vadd.f32 v13, v5;
	v6 =	vadd.f32 v14, v6  }
0xba: {  	v7 =	vadd.f32 v21, v7;
	v8 =	vadd.f32 v22, v8  }
0xbb: {  	v3 =	vadd.f32 v11, v3;
	v2 =	vadd.f32 v10, v2  }
0xbc: {  	v1 =	vadd.f32 v5, v1;
	v4 =	vadd.f32 v8, v4  }
0xbd: {  	v3 =	vadd.f32 v7, v3;
	v2 =	vadd.f32 v6, v2;
	_ =	sdelay $0x1  }
0xbe: {  	v1 =	vadd.f32 v3, v1;
	v2 =	vadd.f32 v4, v2;
	_ =	sdelay $0x1  }
0xbf: {  	v1 =	vadd.f32 v2, v1;
	_ =	sdelay $0x1  }
0xc0: {  	v2 =	vperm.xlane v1, v17;
	_ =	sdelay $0x1  }
0xc1: {  	v2 =	vmin.f32 v1, v2  }
0xc2: {  	v3 =	vperm.xlane v2, v18;
	_ =	sdelay $0x1  }
0xc3: {  	v2 =	vmin.f32 v2, v3  }
0xc4: {  	v3 =	vperm.xlane v2, v19;
	_ =	sdelay $0x1  }
0xc5: {  	v2 =	vmin.f32 v2, v3  }
0xc6: {  	v3 =	vperm.xlane v2, v20;
	_ =	sdelay $0x1  }
0xc7: {  	v2 =	vmin.f32 v2, v3  }
0xc8: {  	vm2 =	veq.f32 v1, v2;
	v1 =	vld [tilespmem:$0x1FF20];
	_ =	sdelay $0x4  }
0xc9: {  	v1 =	vnsel vm2, $0x4EEE6B28, v1  }
0xca: {  	v3 =	vperm.xlane v1, v17;
	_ =	sdelay $0x1  }
0xcb: {  	v1 =	vmin.f32 v1, v3  }
0xcc: {  	v3 =	vperm.xlane v1, v18;
	_ =	sdelay $0x1  }
0xcd: {  	v1 =	vmin.f32 v1, v3  }
0xce: {  	v3 =	vperm.xlane v1, v19;
	_ =	sdelay $0x1  }
0xcf: {  	v1 =	vmin.f32 v1, v3  }
0xd0: {  	v3 =	vperm.xlane v1, v20;
	_ =	sdelay $0x1  }
0xd1: {  	v1 =	vmin.f32 v1, v3  }
0xd2: {  	s12 =	sadd.s32 $0x1, s12;
	v1 =	vsel vm0, $0x0, v1  }
0xd3: {  	p0 =	sne.s32 s12, s6;
	v1 =	vsel vm1, v2, v1  }
.Ltmp1:
0xd4: {  	[tilespmem:$0x2200] =	vst v1;
	(pc) =	sbr.rel @p0 .LBB2_1-.Ltmp1, $4  }
0xd5: {  	[hbm4b:s5+s3] =	stream.linear.scatter [tilespmem:s11], [sflag:$0x2], $0x80, $0x38;
	[tilespmem:$0x2380] =	vst v63  }
0xd6: {  	_ =	swait.ge [sflag:s8], $0x80  }
0xd7: {  	[sflag:s8] =	ssyncset.done $0x0  }
0xd8: {  	[sflag:s8] =	ssyncadd.s32 $0xFFFFFF80  }
0xd9: {  	_ =	sfence.sel $0x180000  }
0xda: {  	[bflag:$0x0] =	sbarrier.arrive $0xFFFF  }
0xdb: {  	p0 =	sne.s32 s0, $0x0;
	_ =	strace $0x90000047  }
0xdc: {  	s0 =	sadd.s32 @!p0 $0x100000, s2;
	[bflag:$0x2] =	sbarrier.arrive $0xFFFF  }
0xdd: {  	[sflag:s0] =	ssyncadd.tile.s32 @!p0 $0x1;
	_ =	shalt  }
.Lfunc_end2:
_tile_overlayer_lowered:
.L_overlay_start_2:
0xde: {  	(tag) =	ssettag $0x2  }
0xdf: {  	s0 =	rddreg [dreg:$0x0];
	s2 =	stileid.u32  }
0xe0: {  	s1 =	rddreg [dreg:$0x1];
	p0 =	sne.s32 s2, $0x0  }
0xe1: {  	s3 =	rddreg [dreg:$0x2];
	[bflag:$0x3] =	sbarrier.arrive $0xFFFF;
	s2 =	simm.s32 @!p0 $0x1C02  }
0xe2: {  	[timem:s3], [sflag:s2] =	dma.local @!p0 [hbm:s0], s1  }
0xe3: {  	s0 =	simm.s32 @!p0 $0x2  }
0xe4: {  	_ =	swait.ge @!p0 [sflag:s0], s1  }
0xe5: {  	s1 =	ssub.s32 @!p0 $0x0, s1;
	[sflag:s0] =	ssyncset.done @!p0 $0x0  }
0xe6: {  	[sflag:s0] =	ssyncadd.s32 @!p0 s1  }
0xe7: {  	[bflag:$0x3] =	sbarrier.arrive $0xFFFF  }
0xe8: {  	_ =	shalt  }

</sc_bundles>
